<compile_context>
chip_gen: v7x
topology: tpu7x:2x2x1
jax: 0.10.2.dev20260603
libtpu: 0.0.44.dev20260713+nightly
codegen_flags: <defaults>
</compile_context>

<pallas_src>
import functools

import jax
import jax.numpy as jnp
from jax import lax
from jax.experimental import pallas as pl
from jax.experimental.pallas import tpu as pltpu
from jax.experimental.pallas import tpu_sc as plsc

N = 10000
C = 128
E = 320000
NE = 2 * E
GW = 10240
GWW = GW // 2

NC, NS = 2, 16
NW = NC * NS
EPW = E // NW
CH = 2000
NCHUNK = EPW // CH
VL = 16
K_RANK = 576000


def _softmax_norms_body(x_ref, p_ref, n_ref):
    x = x_ref[0]
    m = jnp.max(x, axis=-1, keepdims=True)
    e = jnp.exp(x - m)
    s = jnp.sum(e, axis=-1, keepdims=True)
    p = e / s
    p_ref[0] = p
    n_ref[0, 0, 0] = jnp.sum(p * p, axis=-1)


def _softmax_norms(logits):
    return pl.pallas_call(
        _softmax_norms_body,
        grid=(2,),
        in_specs=[pl.BlockSpec((1, N, C), lambda g: (g, 0, 0))],
        out_specs=[
            pl.BlockSpec((1, N, C), lambda g: (g, 0, 0)),
            pl.BlockSpec((1, 1, 1, N), lambda g: (g, 0, 0, 0)),
        ],
        out_shape=[
            jax.ShapeDtypeStruct((2, N, C), jnp.float32),
            jax.ShapeDtypeStruct((2, 1, 1, N), jnp.float32),
        ],
    )(logits)


BI, BJ = 1000, 2048


def _gram_body(a_ref, b_ref, o_ref):
    i = pl.program_id(0)
    j = pl.program_id(1)

    @pl.when(j * BJ + BJ > i * BI)
    def _():
        res = lax.dot_general(
            a_ref[...], b_ref[...], (((1,), (1,)), ((), ())),
            preferred_element_type=jnp.float32)
        h = BJ // 2
        ue = lax.bitcast_convert_type(res[:, :h], jnp.int32)
        uo = lax.bitcast_convert_type(res[:, h:], jnp.int32)
        lo = lax.shift_right_logical(ue + jnp.int32(0x8000), 16)
        hi = lax.bitwise_and(uo + jnp.int32(0x8000), jnp.int32(-65536))
        words = lax.bitwise_or(lo, hi)
        for s in range(BJ // 2 // C):
            o_ref[:, s, :] = words[:, s * C:(s + 1) * C]


def _gram(p_pad):
    def omap(i, j):
        jmin = (i * BI) // BJ
        return (i, jnp.maximum(j, jmin), 0)

    nb = BJ // 2 // C

    return pl.pallas_call(
        _gram_body,
        grid=(N // BI, GW // BJ),
        in_specs=[
            pl.BlockSpec((BI, C), lambda i, j: (i, 0)),
            pl.BlockSpec((BJ, C), lambda i, j: (j, 0)),
        ],
        out_specs=pl.BlockSpec((BI, nb, C), omap),
        out_shape=jax.ShapeDtypeStruct((N, GWW // C, C), jnp.int32),
    )(p_pad, p_pad)


def _sc_edges_body(g_hbm, ei_hbm, ej_hbm, nrm_hbm, dep_hbm, lbl_hbm,
                   pd2_hbm, dd_hbm, cs_hbm,
                   iv, jv, fidx, pshift, gv, nv, dv, lv,
                   o_pd2, o_dd, o_cs, sem):
    wid = lax.axis_index("s") * NC + lax.axis_index("c")

    pltpu.sync_copy(nrm_hbm, nv)
    pltpu.sync_copy(dep_hbm, dv)
    pltpu.sync_copy(lbl_hbm, lv)

    def chunk_body(cix, carry):
        base = wid * EPW + cix * CH
        pltpu.sync_copy(ei_hbm.at[pl.ds(base, CH)], iv)
        pltpu.sync_copy(ej_hbm.at[pl.ds(base, CH)], jv)

        def pass1(k, carry2):
            sl = pl.ds(k * VL, VL)
            ivec = iv[sl]
            jvec = jv[sl]
            mn = jnp.minimum(ivec, jvec)
            mx = jnp.maximum(ivec, jvec)
            w = (lax.shift_left(lax.shift_right_logical(mx, 11), 10)
                 + lax.bitwise_and(mx, jnp.int32(1023)))
            fidx[sl] = mn * GWW + w
            pshift[sl] = lax.shift_left(
                lax.bitwise_and(lax.shift_right_logical(mx, 10),
                                jnp.int32(1)), 4)
            di = plsc.load_gather(dv, [ivec])
            dj = plsc.load_gather(dv, [jvec])
            o_dd[sl] = jnp.abs(di - dj)
            li = plsc.load_gather(lv, [ivec])
            lj = plsc.load_gather(lv, [jvec])
            o_cs[sl] = jnp.where(li == lj, jnp.float32(1.0), jnp.float32(0.0))
            ni = plsc.load_gather(nv, [ivec])
            nj = plsc.load_gather(nv, [jvec])
            o_pd2[sl] = ni + nj
            return carry2

        lax.fori_loop(0, CH // VL, pass1, 0)

        cps = []
        for s in range(15):
            cps.append(pltpu.async_copy(
                g_hbm.at[fidx.at[pl.ds(s * 128, 128)]],
                gv.at[pl.ds(s * 128, 128)], sem))
        cps.append(pltpu.async_copy(
            g_hbm.at[fidx.at[pl.ds(1920, 80)]],
            gv.at[pl.ds(1920, 80)], sem))
        for cp in cps:
            cp.wait()

        def pass2(k, carry2):
            sl = pl.ds(k * VL, VL)
            bits = lax.shift_left(
                lax.shift_right_logical(gv[sl], pshift[sl]), 16)
            gval = plsc.bitcast(bits, jnp.float32)
            pd2 = o_pd2[sl] - jnp.float32(2.0) * gval
            o_pd2[sl] = jnp.maximum(pd2, jnp.float32(0.0))
            return carry2

        lax.fori_loop(0, CH // VL, pass2, 0)

        pltpu.sync_copy(o_pd2, pd2_hbm.at[pl.ds(base, CH)])
        pltpu.sync_copy(o_dd, dd_hbm.at[pl.ds(base, CH)])
        pltpu.sync_copy(o_cs, cs_hbm.at[pl.ds(base, CH)])
        return carry

    lax.fori_loop(0, NCHUNK, chunk_body, 0)


def _sc_edges(g_flat, ei, ej, nrm, dep, lbl):
    mesh = plsc.VectorSubcoreMesh(core_axis_name="c", subcore_axis_name="s")
    f32 = jnp.float32
    kern = functools.partial(
        pl.kernel,
        mesh=mesh,
        compiler_params=pltpu.CompilerParams(needs_layout_passes=False),
        out_type=[
            jax.ShapeDtypeStruct((E,), f32),
            jax.ShapeDtypeStruct((E,), f32),
            jax.ShapeDtypeStruct((E,), f32),
        ],
        scratch_types=[
            pltpu.VMEM((CH,), jnp.int32),
            pltpu.VMEM((CH,), jnp.int32),
            pltpu.VMEM((CH,), jnp.int32),
            pltpu.VMEM((CH,), jnp.int32),
            pltpu.VMEM((CH,), jnp.int32),
            pltpu.VMEM((N,), f32),
            pltpu.VMEM((N,), f32),
            pltpu.VMEM((N,), jnp.int32),
            pltpu.VMEM((CH,), f32),
            pltpu.VMEM((CH,), f32),
            pltpu.VMEM((CH,), f32),
            pltpu.SemaphoreType.DMA,
        ],
    )(_sc_edges_body)
    return kern(g_flat, ei, ej, nrm, dep, lbl)


def _finalize_body(pd2a_ref, pd2b_ref, dda_ref, ddb_ref, csa_ref, csb_ref,
                   raw_ref, o_ref):
    pda = jnp.sqrt(pd2a_ref[...])
    pdb = jnp.sqrt(pd2b_ref[...])

    def masked_mean(sa, sb, ca, cb):
        cnt = jnp.sum(ca) + jnp.sum(cb)
        s = jnp.sum(sa) + jnp.sum(sb)
        return jnp.where(cnt > 0, s / jnp.maximum(cnt, 1.0), 0.0)

    csa = csa_ref[...]
    csb = csb_ref[...]
    p_cluster = masked_mean(pda * csa, pdb * csb, csa, csb)
    ma = (dda_ref[...] < 3.0).astype(jnp.float32)
    mb = (ddb_ref[...] < 3.0).astype(jnp.float32)
    p_depth = masked_mean(pda * ma, pdb * mb, ma, mb)

    bits_a = lax.bitcast_convert_type(pda, jnp.int32)
    bits_b = lax.bitcast_convert_type(pdb, jnp.int32)

    def bs_body(_, lohi):
        lo, hi = lohi
        mid = (lo + hi) // 2
        cnt = (jnp.sum((bits_a <= mid).astype(jnp.int32))
               + jnp.sum((bits_b <= mid).astype(jnp.int32)))
        return jnp.where(cnt >= K_RANK, lo, mid + 1), jnp.where(
            cnt >= K_RANK, mid, hi)

    lo, hi = lax.fori_loop(0, 31, bs_body,
                           (jnp.int32(0), jnp.int32(0x7F800000)))
    v1 = lax.bitcast_convert_type(hi, jnp.float32)
    ja = (pda > v1).astype(jnp.float32)
    jb = (pdb > v1).astype(jnp.float32)
    p_jump = masked_mean(pda * ja, pdb * jb, ja, jb)

    e = jnp.exp(raw_ref[...])
    w = e / jnp.sum(e)
    total = w[0, 0] * p_cluster + w[0, 1] * p_depth + w[0, 2] * p_jump
    o_ref[...] = jnp.reshape(total, (1, 1))


def _finalize(pd2a, pd2b, dda, ddb, csa, csb, raw_pad):
    return pl.pallas_call(
        _finalize_body,
        out_shape=jax.ShapeDtypeStruct((1, 1), jnp.float32),
    )(pd2a, pd2b, dda, ddb, csa, csb, raw_pad)


def kernel(logits_src, logits_tgt, edge_index_src, edge_index_tgt,
           cluster_labels_src, cluster_labels_tgt, depth_src, depth_tgt, raw):
    logits = jnp.stack([logits_src, logits_tgt]).astype(jnp.float32)
    probs, norms = _softmax_norms(logits)
    p_pad = jnp.pad(probs, ((0, 0), (0, GW - N), (0, 0)))

    gram_a = _gram(p_pad[0])
    pd2a, dda, csa = _sc_edges(
        gram_a.reshape(N * GWW),
        edge_index_src[0].astype(jnp.int32),
        edge_index_src[1].astype(jnp.int32),
        norms.reshape(2, N)[0], depth_src.astype(jnp.float32),
        cluster_labels_src.astype(jnp.int32))
    gram_b = _gram(p_pad[1])
    pd2b, ddb, csb = _sc_edges(
        gram_b.reshape(N * GWW),
        edge_index_tgt[0].astype(jnp.int32),
        edge_index_tgt[1].astype(jnp.int32),
        norms.reshape(2, N)[1], depth_tgt.astype(jnp.float32),
        cluster_labels_tgt.astype(jnp.int32))

    raw_pad = jnp.full((1, C), -jnp.inf, jnp.float32).at[0, :3].set(
        raw.astype(jnp.float32))
    out = _finalize(pd2a.reshape(2500, 128), pd2b.reshape(2500, 128),
                    dda.reshape(2500, 128), ddb.reshape(2500, 128),
                    csa.reshape(2500, 128), csb.reshape(2500, 128), raw_pad)
    return out[0, 0]

# --- scband reference (transcript-rebuilt; emitter-appended) ---
"""Pipeline reference for scband-adaptive-jump-penalty-56427280334984 (READ-ONLY COPY).

The authoritative reference and input builder live on the scoring server;
editing this copy changes nothing except your own understanding.
"""

import jax, jax.numpy as jnp
import numpy as np


def _masked_mean(x, mask):
    cnt = jnp.sum(mask)
    s = jnp.sum(jnp.where(mask, x, 0.0))
    return jnp.where(cnt > 0, s / jnp.maximum(cnt, 1).astype(x.dtype), jnp.array(0.0, dtype=x.dtype))


def setup_inputs(seed: int = 0) -> dict:
    key = jax.random.key(seed)
    ks = jax.random.split(key, 10)
    N, C, E = 10000, 128, 320000
    return {
        "logits_src": jax.random.normal(ks[0], (N, C), dtype=jnp.float32),
        "logits_tgt": jax.random.normal(ks[1], (N, C), dtype=jnp.float32),
        "edge_index_src": jax.random.randint(ks[2], (2, E), 0, N, dtype=jnp.int64) if jax.config.jax_enable_x64 else jax.random.randint(ks[2], (2, E), 0, N),
        "edge_index_tgt": jax.random.randint(ks[3], (2, E), 0, N),
        "cluster_labels_src": jax.random.randint(ks[4], (N,), 0, 1000),
        "cluster_labels_tgt": jax.random.randint(ks[5], (N,), 0, 1000),
        "depth_src": jax.random.normal(ks[6], (N,), dtype=jnp.float32),
        "depth_tgt": jax.random.normal(ks[7], (N,), dtype=jnp.float32),
        "raw": jnp.zeros((3,), dtype=jnp.float32),
    }


def reference(logits_src, logits_tgt, edge_index_src, edge_index_tgt,
              cluster_labels_src, cluster_labels_tgt, depth_src, depth_tgt, raw):
    probs_src = jax.nn.softmax(logits_src, axis=1)
    i_s, j_s = edge_index_src[0], edge_index_src[1]
    pred_diff_src = jnp.linalg.norm(probs_src[i_s] - probs_src[j_s], axis=1)
    depth_diff_src = jnp.abs(depth_src[i_s] - depth_src[j_s])
    cluster_same_src = cluster_labels_src[i_s] == cluster_labels_src[j_s]

    probs_tgt = jax.nn.softmax(logits_tgt, axis=1)
    i_t, j_t = edge_index_tgt[0], edge_index_tgt[1]
    pred_diff_tgt = jnp.linalg.norm(probs_tgt[i_t] - probs_tgt[j_t], axis=1)
    depth_diff_tgt = jnp.abs(depth_tgt[i_t] - depth_tgt[j_t])
    cluster_same_tgt = cluster_labels_tgt[i_t] == cluster_labels_tgt[j_t]

    pred_diff = jnp.concatenate([pred_diff_src, pred_diff_tgt])
    depth_diff = jnp.concatenate([depth_diff_src, depth_diff_tgt])
    cluster_same = jnp.concatenate([cluster_same_src, cluster_same_tgt])

    depth_diff_combined = jnp.concatenate([depth_diff_src, depth_diff_tgt])
    boundary_threshold = jnp.quantile(depth_diff_combined, 0.9)
    _ = (depth_diff > boundary_threshold) & (~cluster_same)

    penalty_cluster = _masked_mean(pred_diff, cluster_same)
    penalty_depth = _masked_mean(pred_diff, depth_diff < 3.0)
    dynamic_threshold = jnp.quantile(pred_diff, 0.9)
    mask_jump = pred_diff > dynamic_threshold
    penalty_jump = _masked_mean(pred_diff, mask_jump)

    w = jax.nn.softmax(raw, axis=0)
    total_penalty = w[0] * penalty_cluster + w[1] * penalty_depth + w[2] * penalty_jump
    return total_penalty

if __name__ == "__main__":
    import jax
    _d = setup_inputs()
    print(jax.jit(kernel)(*tuple(_d.values())))

</pallas_src>

<mosaic_0001>
#map = affine_map<(d0, d1) -> (0)>
module attributes {stable_mosaic.version = 14 : i64} {
  func.func @_sc_edges_body(%arg0: i32, %arg1: i32, %arg2: memref<51200000xi32, #tpu.memory_space<hbm>>, %arg3: memref<320000xi32, #tpu.memory_space<hbm>>, %arg4: memref<320000xi32, #tpu.memory_space<hbm>>, %arg5: memref<10000xf32, #tpu.memory_space<hbm>>, %arg6: memref<10000xf32, #tpu.memory_space<hbm>>, %arg7: memref<10000xi32, #tpu.memory_space<hbm>>, %arg8: memref<320000xf32, #tpu.memory_space<hbm>>, %arg9: memref<320000xf32, #tpu.memory_space<hbm>>, %arg10: memref<320000xf32, #tpu.memory_space<hbm>>, %arg11: memref<2000xi32, #tpu.memory_space<vmem>>, %arg12: memref<2000xi32, #tpu.memory_space<vmem>>, %arg13: memref<2000xi32, #tpu.memory_space<vmem>>, %arg14: memref<2000xi32, #tpu.memory_space<vmem>>, %arg15: memref<2000xi32, #tpu.memory_space<vmem>>, %arg16: memref<10000xf32, #tpu.memory_space<vmem>>, %arg17: memref<10000xf32, #tpu.memory_space<vmem>>, %arg18: memref<10000xi32, #tpu.memory_space<vmem>>, %arg19: memref<2000xf32, #tpu.memory_space<vmem>>, %arg20: memref<2000xf32, #tpu.memory_space<vmem>>, %arg21: memref<2000xf32, #tpu.memory_space<vmem>>, %arg22: memref<!tpu.dma_semaphore, #tpu.memory_space<semaphore_mem>>) attributes {dimension_semantics = [#tpu.dimension_semantics<core_parallel>, #tpu.dimension_semantics<subcore_parallel>], iteration_bounds = array<i64: 2, 16>, scalar_prefetch = 0 : i64, scratch_operands = 12 : i64, tpu.core_type = #tpu.core_type<sc_vector_subcore>, window_params = [{transform_indices = #map}, {transform_indices = #map}, {transform_indices = #map}, {transform_indices = #map}, {transform_indices = #map}, {transform_indices = #map}, {transform_indices = #map}, {transform_indices = #map}, {transform_indices = #map}]} {
    %mul3A = arith.constant 2 : i32
    %mul3A_0 = arith.muli %arg1, %mul3A : i32
    %add3A = arith.addi %mul3A_0, %arg0 : i32
    "tpu.region"() ({
      %run_scoped3A = tpu.sem_alloc : memref<!tpu.dma_semaphore, #tpu.memory_space<semaphore_mem>>
      tpu.enqueue_dma source(%arg5 : memref<10000xf32, #tpu.memory_space<hbm>>) target(%arg16 : memref<10000xf32, #tpu.memory_space<vmem>>) target_semaphore(%run_scoped3A : memref<!tpu.dma_semaphore, #tpu.memory_space<semaphore_mem>>)
      tpu.wait_dma2 semaphore(%run_scoped3A : memref<!tpu.dma_semaphore, #tpu.memory_space<semaphore_mem>>) src(%arg5 : memref<10000xf32, #tpu.memory_space<hbm>>) dst(%arg16 : memref<10000xf32, #tpu.memory_space<vmem>>)
      tpu.yield
    }) : () -> ()
    "tpu.region"() ({
      %run_scoped3A = tpu.sem_alloc : memref<!tpu.dma_semaphore, #tpu.memory_space<semaphore_mem>>
      tpu.enqueue_dma source(%arg6 : memref<10000xf32, #tpu.memory_space<hbm>>) target(%arg17 : memref<10000xf32, #tpu.memory_space<vmem>>) target_semaphore(%run_scoped3A : memref<!tpu.dma_semaphore, #tpu.memory_space<semaphore_mem>>)
      tpu.wait_dma2 semaphore(%run_scoped3A : memref<!tpu.dma_semaphore, #tpu.memory_space<semaphore_mem>>) src(%arg6 : memref<10000xf32, #tpu.memory_space<hbm>>) dst(%arg17 : memref<10000xf32, #tpu.memory_space<vmem>>)
      tpu.yield
    }) : () -> ()
    "tpu.region"() ({
      %run_scoped3A = tpu.sem_alloc : memref<!tpu.dma_semaphore, #tpu.memory_space<semaphore_mem>>
      tpu.enqueue_dma source(%arg7 : memref<10000xi32, #tpu.memory_space<hbm>>) target(%arg18 : memref<10000xi32, #tpu.memory_space<vmem>>) target_semaphore(%run_scoped3A : memref<!tpu.dma_semaphore, #tpu.memory_space<semaphore_mem>>)
      tpu.wait_dma2 semaphore(%run_scoped3A : memref<!tpu.dma_semaphore, #tpu.memory_space<semaphore_mem>>) src(%arg7 : memref<10000xi32, #tpu.memory_space<hbm>>) dst(%arg18 : memref<10000xi32, #tpu.memory_space<vmem>>)
      tpu.yield
    }) : () -> ()
    %scan3A = arith.constant 0 : i32
    %scan3A_1 = arith.constant 0 : i32
    %scan3A_2 = arith.constant 5 : i32
    %scan3A_3 = arith.addi %scan3A_1, %scan3A_2 : i32
    %scan3A_4 = arith.constant 1 : i32
    scf.for %scan3A_6 = %scan3A_1 to %scan3A_3 step %scan3A_4  : i32 {
      %mul3A_7 = arith.constant 10000 : i32
      %mul3A_8 = arith.muli %add3A, %mul3A_7 : i32
      %mul3A_9 = arith.constant 2000 : i32
      %mul3A_10 = arith.muli %scan3A_6, %mul3A_9 : i32
      %add3A_11 = arith.addi %mul3A_8, %mul3A_10 : i32
      "tpu.region"() ({
        %run_scoped3A = tpu.sem_alloc : memref<!tpu.dma_semaphore, #tpu.memory_space<semaphore_mem>>
        %dma_start3A_214 = tpu.memref_slice %arg3[%add3A_11] : memref<320000xi32, #tpu.memory_space<hbm>> -> memref<2000xi32, #tpu.memory_space<hbm>>
        %dma_start3A_215 = tpu.memref_slice %arg3[%add3A_11] : memref<320000xi32, #tpu.memory_space<hbm>> -> memref<2000xi32, #tpu.memory_space<hbm>>
        tpu.enqueue_dma source(%dma_start3A_215 : memref<2000xi32, #tpu.memory_space<hbm>>) target(%arg11 : memref<2000xi32, #tpu.memory_space<vmem>>) target_semaphore(%run_scoped3A : memref<!tpu.dma_semaphore, #tpu.memory_space<semaphore_mem>>)
        %dma_wait3A_216 = tpu.memref_slice %arg3[%add3A_11] : memref<320000xi32, #tpu.memory_space<hbm>> -> memref<2000xi32, #tpu.memory_space<hbm>>
        %dma_wait3A_217 = tpu.memref_slice %arg3[%add3A_11] : memref<320000xi32, #tpu.memory_space<hbm>> -> memref<2000xi32, #tpu.memory_space<hbm>>
        tpu.wait_dma2 semaphore(%run_scoped3A : memref<!tpu.dma_semaphore, #tpu.memory_space<semaphore_mem>>) src(%dma_wait3A_217 : memref<2000xi32, #tpu.memory_space<hbm>>) dst(%arg11 : memref<2000xi32, #tpu.memory_space<vmem>>)
        tpu.yield
      }) : () -> ()
      "tpu.region"() ({
        %run_scoped3A = tpu.sem_alloc : memref<!tpu.dma_semaphore, #tpu.memory_space<semaphore_mem>>
        %dma_start3A_214 = tpu.memref_slice %arg4[%add3A_11] : memref<320000xi32, #tpu.memory_space<hbm>> -> memref<2000xi32, #tpu.memory_space<hbm>>
        %dma_start3A_215 = tpu.memref_slice %arg4[%add3A_11] : memref<320000xi32, #tpu.memory_space<hbm>> -> memref<2000xi32, #tpu.memory_space<hbm>>
        tpu.enqueue_dma source(%dma_start3A_215 : memref<2000xi32, #tpu.memory_space<hbm>>) target(%arg12 : memref<2000xi32, #tpu.memory_space<vmem>>) target_semaphore(%run_scoped3A : memref<!tpu.dma_semaphore, #tpu.memory_space<semaphore_mem>>)
        %dma_wait3A_216 = tpu.memref_slice %arg4[%add3A_11] : memref<320000xi32, #tpu.memory_space<hbm>> -> memref<2000xi32, #tpu.memory_space<hbm>>
        %dma_wait3A_217 = tpu.memref_slice %arg4[%add3A_11] : memref<320000xi32, #tpu.memory_space<hbm>> -> memref<2000xi32, #tpu.memory_space<hbm>>
        tpu.wait_dma2 semaphore(%run_scoped3A : memref<!tpu.dma_semaphore, #tpu.memory_space<semaphore_mem>>) src(%dma_wait3A_217 : memref<2000xi32, #tpu.memory_space<hbm>>) dst(%arg12 : memref<2000xi32, #tpu.memory_space<vmem>>)
        tpu.yield
      }) : () -> ()
      %scan3A_12 = arith.constant 0 : i32
      %scan3A_13 = arith.constant 0 : i32
      %scan3A_14 = arith.constant 125 : i32
      %scan3A_15 = arith.addi %scan3A_13, %scan3A_14 : i32
      %scan3A_16 = arith.constant 1 : i32
      scf.for %scan3A_214 = %scan3A_13 to %scan3A_15 step %scan3A_16  : i32 {
        %mul3A_215 = arith.constant 16 : i32
        %mul3A_216 = arith.muli %scan3A_214, %mul3A_215 : i32
        %get3A = arith.index_cast %mul3A_216 : i32 to index
        %get3A_217 = tpu.vector_load %arg11[%get3A] {strides = array<i32>} : memref<2000xi32, #tpu.memory_space<vmem>>, vector<16xi32>,
        %get3A_218 = arith.index_cast %mul3A_216 : i32 to index
        %get3A_219 = tpu.vector_load %arg12[%get3A_218] {strides = array<i32>} : memref<2000xi32, #tpu.memory_space<vmem>>, vector<16xi32>,
        %min3A = arith.minsi %get3A_217, %get3A_219 : vector<16xi32>
        %max3A = arith.maxsi %get3A_217, %get3A_219 : vector<16xi32>
        %shift_right_logical3A = arith.constant 11 : i32
        %shift_right_logical3A_220 = vector.broadcast %shift_right_logical3A : i32 to vector<16xi32>
        %shift_right_logical3A_221 = arith.shrui %max3A, %shift_right_logical3A_220 : vector<16xi32>
        %shift_left3A = arith.constant 10 : i32
        %shift_left3A_222 = vector.broadcast %shift_left3A : i32 to vector<16xi32>
        %shift_left3A_223 = arith.shli %shift_right_logical3A_221, %shift_left3A_222 : vector<16xi32>
        %and3A = arith.constant 1023 : i32
        %and3A_224 = vector.broadcast %and3A : i32 to vector<16xi32>
        %and3A_225 = arith.andi %max3A, %and3A_224 : vector<16xi32>
        %add3A_226 = arith.addi %shift_left3A_223, %and3A_225 : vector<16xi32>
        %mul3A_227 = arith.constant 5120 : i32
        %mul3A_228 = vector.broadcast %mul3A_227 : i32 to vector<16xi32>
        %mul3A_229 = arith.muli %min3A, %mul3A_228 : vector<16xi32>
        %add3A_230 = arith.addi %mul3A_229, %add3A_226 : vector<16xi32>
        %swap3A = arith.index_cast %mul3A_216 : i32 to index
        %swap3A_231 = tpu.vector_load %arg13[%swap3A] {strides = array<i32>} : memref<2000xi32, #tpu.memory_space<vmem>>, vector<16xi32>,
        tpu.vector_store %arg13[%swap3A], %add3A_230 {strides = array<i32>} : memref<2000xi32, #tpu.memory_space<vmem>>, vector<16xi32>,
        %shift_right_logical3A_232 = arith.constant 10 : i32
        %shift_right_logical3A_233 = vector.broadcast %shift_right_logical3A_232 : i32 to vector<16xi32>
        %shift_right_logical3A_234 = arith.shrui %max3A, %shift_right_logical3A_233 : vector<16xi32>
        %and3A_235 = arith.constant 1 : i32
        %and3A_236 = vector.broadcast %and3A_235 : i32 to vector<16xi32>
        %and3A_237 = arith.andi %shift_right_logical3A_234, %and3A_236 : vector<16xi32>
        %shift_left3A_238 = arith.constant 4 : i32
        %shift_left3A_239 = vector.broadcast %shift_left3A_238 : i32 to vector<16xi32>
        %shift_left3A_240 = arith.shli %and3A_237, %shift_left3A_239 : vector<16xi32>
        %swap3A_241 = arith.index_cast %mul3A_216 : i32 to index
        %swap3A_242 = tpu.vector_load %arg14[%swap3A_241] {strides = array<i32>} : memref<2000xi32, #tpu.memory_space<vmem>>, vector<16xi32>,
        tpu.vector_store %arg14[%swap3A_241], %shift_left3A_240 {strides = array<i32>} : memref<2000xi32, #tpu.memory_space<vmem>>, vector<16xi32>,
        %gather3A = tpu.vector_load_idx %arg17[%get3A_217] : memref<10000xf32, #tpu.memory_space<vmem>>[vector<16xi32>], vector<16xf32>,
        %gather3A_243 = tpu.vector_load_idx %arg17[%get3A_219] : memref<10000xf32, #tpu.memory_space<vmem>>[vector<16xi32>], vector<16xf32>,
        %sub3A = arith.subf %gather3A, %gather3A_243 : vector<16xf32>
        %abs3A = math.absf %sub3A : vector<16xf32>
        %swap3A_244 = arith.index_cast %mul3A_216 : i32 to index
        %swap3A_245 = tpu.vector_load %arg20[%swap3A_244] {strides = array<i32>} : memref<2000xf32, #tpu.memory_space<vmem>>, vector<16xf32>,
        tpu.vector_store %arg20[%swap3A_244], %abs3A {strides = array<i32>} : memref<2000xf32, #tpu.memory_space<vmem>>, vector<16xf32>,
        %gather3A_246 = tpu.vector_load_idx %arg18[%get3A_217] : memref<10000xi32, #tpu.memory_space<vmem>>[vector<16xi32>], vector<16xi32>,
        %gather3A_247 = tpu.vector_load_idx %arg18[%get3A_219] : memref<10000xi32, #tpu.memory_space<vmem>>[vector<16xi32>], vector<16xi32>,
        %eq3A = arith.cmpi eq, %gather3A_246, %gather3A_247 : vector<16xi32>
        %jit3A = arith.constant 1.000000e+00 : f32
        %jit3A_248 = arith.constant 0.000000e+00 : f32
        %broadcast_in_dim3A = vector.broadcast %jit3A : f32 to vector<16xf32>
        %broadcast_in_dim3A_249 = vector.broadcast %jit3A_248 : f32 to vector<16xf32>
        %select_n3A = arith.select %eq3A, %broadcast_in_dim3A, %broadcast_in_dim3A_249 : vector<16xi1>, vector<16xf32>
        %swap3A_250 = arith.index_cast %mul3A_216 : i32 to index
        %swap3A_251 = tpu.vector_load %arg21[%swap3A_250] {strides = array<i32>} : memref<2000xf32, #tpu.memory_space<vmem>>, vector<16xf32>,
        tpu.vector_store %arg21[%swap3A_250], %select_n3A {strides = array<i32>} : memref<2000xf32, #tpu.memory_space<vmem>>, vector<16xf32>,
        %gather3A_252 = tpu.vector_load_idx %arg16[%get3A_217] : memref<10000xf32, #tpu.memory_space<vmem>>[vector<16xi32>], vector<16xf32>,
        %gather3A_253 = tpu.vector_load_idx %arg16[%get3A_219] : memref<10000xf32, #tpu.memory_space<vmem>>[vector<16xi32>], vector<16xf32>,
        %add3A_254 = arith.addf %gather3A_252, %gather3A_253 : vector<16xf32>
        %swap3A_255 = arith.index_cast %mul3A_216 : i32 to index
        %swap3A_256 = tpu.vector_load %arg19[%swap3A_255] {strides = array<i32>} : memref<2000xf32, #tpu.memory_space<vmem>>, vector<16xf32>,
        tpu.vector_store %arg19[%swap3A_255], %add3A_254 {strides = array<i32>} : memref<2000xf32, #tpu.memory_space<vmem>>, vector<16xf32>,
      }
      %scan3A_17 = arith.constant 125 : i32
      %dma_start3A = arith.constant 0 : i32
      %dma_start3A_18 = tpu.memref_slice %arg15[%dma_start3A] : memref<2000xi32, #tpu.memory_space<vmem>> -> memref<128xi32, #tpu.memory_space<vmem>>
      %dma_start3A_19 = arith.constant 0 : i32
      %dma_start3A_20 = tpu.memref_slice %arg13[%dma_start3A_19] : memref<2000xi32, #tpu.memory_space<vmem>> -> memref<128xi32, #tpu.memory_space<vmem>>
      %dma_start3A_21 = arith.constant 0 : i32
      %dma_start3A_22 = tpu.memref_slice %arg2[%dma_start3A_21] : memref<51200000xi32, #tpu.memory_space<hbm>> -> memref<51200000xi32, #tpu.memory_space<hbm>>
      tpu.enqueue_indirect_dma source(%dma_start3A_22 : memref<51200000xi32, #tpu.memory_space<hbm>>) target(%dma_start3A_18 : memref<128xi32, #tpu.memory_space<vmem>>) offsets(%dma_start3A_20 : memref<128xi32, #tpu.memory_space<vmem>>) semaphore(%arg22 : memref<!tpu.dma_semaphore, #tpu.memory_space<semaphore_mem>>)
      %dma_start3A_23 = arith.constant 128 : i32
      %dma_start3A_24 = tpu.memref_slice %arg15[%dma_start3A_23] : memref<2000xi32, #tpu.memory_space<vmem>> -> memref<128xi32, #tpu.memory_space<vmem>>
      %dma_start3A_25 = arith.constant 128 : i32
      %dma_start3A_26 = tpu.memref_slice %arg13[%dma_start3A_25] : memref<2000xi32, #tpu.memory_space<vmem>> -> memref<128xi32, #tpu.memory_space<vmem>>
      %dma_start3A_27 = arith.constant 0 : i32
      %dma_start3A_28 = tpu.memref_slice %arg2[%dma_start3A_27] : memref<51200000xi32, #tpu.memory_space<hbm>> -> memref<51200000xi32, #tpu.memory_space<hbm>>
      tpu.enqueue_indirect_dma source(%dma_start3A_28 : memref<51200000xi32, #tpu.memory_space<hbm>>) target(%dma_start3A_24 : memref<128xi32, #tpu.memory_space<vmem>>) offsets(%dma_start3A_26 : memref<128xi32, #tpu.memory_space<vmem>>) semaphore(%arg22 : memref<!tpu.dma_semaphore, #tpu.memory_space<semaphore_mem>>)
      %dma_start3A_29 = arith.constant 256 : i32
      %dma_start3A_30 = tpu.memref_slice %arg15[%dma_start3A_29] : memref<2000xi32, #tpu.memory_space<vmem>> -> memref<128xi32, #tpu.memory_space<vmem>>
      %dma_start3A_31 = arith.constant 256 : i32
      %dma_start3A_32 = tpu.memref_slice %arg13[%dma_start3A_31] : memref<2000xi32, #tpu.memory_space<vmem>> -> memref<128xi32, #tpu.memory_space<vmem>>
      %dma_start3A_33 = arith.constant 0 : i32
      %dma_start3A_34 = tpu.memref_slice %arg2[%dma_start3A_33] : memref<51200000xi32, #tpu.memory_space<hbm>> -> memref<51200000xi32, #tpu.memory_space<hbm>>
      tpu.enqueue_indirect_dma source(%dma_start3A_34 : memref<51200000xi32, #tpu.memory_space<hbm>>) target(%dma_start3A_30 : memref<128xi32, #tpu.memory_space<vmem>>) offsets(%dma_start3A_32 : memref<128xi32, #tpu.memory_space<vmem>>) semaphore(%arg22 : memref<!tpu.dma_semaphore, #tpu.memory_space<semaphore_mem>>)
      %dma_start3A_35 = arith.constant 384 : i32
      %dma_start3A_36 = tpu.memref_slice %arg15[%dma_start3A_35] : memref<2000xi32, #tpu.memory_space<vmem>> -> memref<128xi32, #tpu.memory_space<vmem>>
      %dma_start3A_37 = arith.constant 384 : i32
      %dma_start3A_38 = tpu.memref_slice %arg13[%dma_start3A_37] : memref<2000xi32, #tpu.memory_space<vmem>> -> memref<128xi32, #tpu.memory_space<vmem>>
      %dma_start3A_39 = arith.constant 0 : i32
      %dma_start3A_40 = tpu.memref_slice %arg2[%dma_start3A_39] : memref<51200000xi32, #tpu.memory_space<hbm>> -> memref<51200000xi32, #tpu.memory_space<hbm>>
      tpu.enqueue_indirect_dma source(%dma_start3A_40 : memref<51200000xi32, #tpu.memory_space<hbm>>) target(%dma_start3A_36 : memref<128xi32, #tpu.memory_space<vmem>>) offsets(%dma_start3A_38 : memref<128xi32, #tpu.memory_space<vmem>>) semaphore(%arg22 : memref<!tpu.dma_semaphore, #tpu.memory_space<semaphore_mem>>)
      %dma_start3A_41 = arith.constant 512 : i32
      %dma_start3A_42 = tpu.memref_slice %arg15[%dma_start3A_41] : memref<2000xi32, #tpu.memory_space<vmem>> -> memref<128xi32, #tpu.memory_space<vmem>>
      %dma_start3A_43 = arith.constant 512 : i32
      %dma_start3A_44 = tpu.memref_slice %arg13[%dma_start3A_43] : memref<2000xi32, #tpu.memory_space<vmem>> -> memref<128xi32, #tpu.memory_space<vmem>>
      %dma_start3A_45 = arith.constant 0 : i32
      %dma_start3A_46 = tpu.memref_slice %arg2[%dma_start3A_45] : memref<51200000xi32, #tpu.memory_space<hbm>> -> memref<51200000xi32, #tpu.memory_space<hbm>>
      tpu.enqueue_indirect_dma source(%dma_start3A_46 : memref<51200000xi32, #tpu.memory_space<hbm>>) target(%dma_start3A_42 : memref<128xi32, #tpu.memory_space<vmem>>) offsets(%dma_start3A_44 : memref<128xi32, #tpu.memory_space<vmem>>) semaphore(%arg22 : memref<!tpu.dma_semaphore, #tpu.memory_space<semaphore_mem>>)
      %dma_start3A_47 = arith.constant 640 : i32
      %dma_start3A_48 = tpu.memref_slice %arg15[%dma_start3A_47] : memref<2000xi32, #tpu.memory_space<vmem>> -> memref<128xi32, #tpu.memory_space<vmem>>
      %dma_start3A_49 = arith.constant 640 : i32
      %dma_start3A_50 = tpu.memref_slice %arg13[%dma_start3A_49] : memref<2000xi32, #tpu.memory_space<vmem>> -> memref<128xi32, #tpu.memory_space<vmem>>
      %dma_start3A_51 = arith.constant 0 : i32
      %dma_start3A_52 = tpu.memref_slice %arg2[%dma_start3A_51] : memref<51200000xi32, #tpu.memory_space<hbm>> -> memref<51200000xi32, #tpu.memory_space<hbm>>
      tpu.enqueue_indirect_dma source(%dma_start3A_52 : memref<51200000xi32, #tpu.memory_space<hbm>>) target(%dma_start3A_48 : memref<128xi32, #tpu.memory_space<vmem>>) offsets(%dma_start3A_50 : memref<128xi32, #tpu.memory_space<vmem>>) semaphore(%arg22 : memref<!tpu.dma_semaphore, #tpu.memory_space<semaphore_mem>>)
      %dma_start3A_53 = arith.constant 768 : i32
      %dma_start3A_54 = tpu.memref_slice %arg15[%dma_start3A_53] : memref<2000xi32, #tpu.memory_space<vmem>> -> memref<128xi32, #tpu.memory_space<vmem>>
      %dma_start3A_55 = arith.constant 768 : i32
      %dma_start3A_56 = tpu.memref_slice %arg13[%dma_start3A_55] : memref<2000xi32, #tpu.memory_space<vmem>> -> memref<128xi32, #tpu.memory_space<vmem>>
      %dma_start3A_57 = arith.constant 0 : i32
      %dma_start3A_58 = tpu.memref_slice %arg2[%dma_start3A_57] : memref<51200000xi32, #tpu.memory_space<hbm>> -> memref<51200000xi32, #tpu.memory_space<hbm>>
      tpu.enqueue_indirect_dma source(%dma_start3A_58 : memref<51200000xi32, #tpu.memory_space<hbm>>) target(%dma_start3A_54 : memref<128xi32, #tpu.memory_space<vmem>>) offsets(%dma_start3A_56 : memref<128xi32, #tpu.memory_space<vmem>>) semaphore(%arg22 : memref<!tpu.dma_semaphore, #tpu.memory_space<semaphore_mem>>)
      %dma_start3A_59 = arith.constant 896 : i32
      %dma_start3A_60 = tpu.memref_slice %arg15[%dma_start3A_59] : memref<2000xi32, #tpu.memory_space<vmem>> -> memref<128xi32, #tpu.memory_space<vmem>>
      %dma_start3A_61 = arith.constant 896 : i32
      %dma_start3A_62 = tpu.memref_slice %arg13[%dma_start3A_61] : memref<2000xi32, #tpu.memory_space<vmem>> -> memref<128xi32, #tpu.memory_space<vmem>>
      %dma_start3A_63 = arith.constant 0 : i32
      %dma_start3A_64 = tpu.memref_slice %arg2[%dma_start3A_63] : memref<51200000xi32, #tpu.memory_space<hbm>> -> memref<51200000xi32, #tpu.memory_space<hbm>>
      tpu.enqueue_indirect_dma source(%dma_start3A_64 : memref<51200000xi32, #tpu.memory_space<hbm>>) target(%dma_start3A_60 : memref<128xi32, #tpu.memory_space<vmem>>) offsets(%dma_start3A_62 : memref<128xi32, #tpu.memory_space<vmem>>) semaphore(%arg22 : memref<!tpu.dma_semaphore, #tpu.memory_space<semaphore_mem>>)
      %dma_start3A_65 = arith.constant 1024 : i32
      %dma_start3A_66 = tpu.memref_slice %arg15[%dma_start3A_65] : memref<2000xi32, #tpu.memory_space<vmem>> -> memref<128xi32, #tpu.memory_space<vmem>>
      %dma_start3A_67 = arith.constant 1024 : i32
      %dma_start3A_68 = tpu.memref_slice %arg13[%dma_start3A_67] : memref<2000xi32, #tpu.memory_space<vmem>> -> memref<128xi32, #tpu.memory_space<vmem>>
      %dma_start3A_69 = arith.constant 0 : i32
      %dma_start3A_70 = tpu.memref_slice %arg2[%dma_start3A_69] : memref<51200000xi32, #tpu.memory_space<hbm>> -> memref<51200000xi32, #tpu.memory_space<hbm>>
      tpu.enqueue_indirect_dma source(%dma_start3A_70 : memref<51200000xi32, #tpu.memory_space<hbm>>) target(%dma_start3A_66 : memref<128xi32, #tpu.memory_space<vmem>>) offsets(%dma_start3A_68 : memref<128xi32, #tpu.memory_space<vmem>>) semaphore(%arg22 : memref<!tpu.dma_semaphore, #tpu.memory_space<semaphore_mem>>)
      %dma_start3A_71 = arith.constant 1152 : i32
      %dma_start3A_72 = tpu.memref_slice %arg15[%dma_start3A_71] : memref<2000xi32, #tpu.memory_space<vmem>> -> memref<128xi32, #tpu.memory_space<vmem>>
      %dma_start3A_73 = arith.constant 1152 : i32
      %dma_start3A_74 = tpu.memref_slice %arg13[%dma_start3A_73] : memref<2000xi32, #tpu.memory_space<vmem>> -> memref<128xi32, #tpu.memory_space<vmem>>
      %dma_start3A_75 = arith.constant 0 : i32
      %dma_start3A_76 = tpu.memref_slice %arg2[%dma_start3A_75] : memref<51200000xi32, #tpu.memory_space<hbm>> -> memref<51200000xi32, #tpu.memory_space<hbm>>
      tpu.enqueue_indirect_dma source(%dma_start3A_76 : memref<51200000xi32, #tpu.memory_space<hbm>>) target(%dma_start3A_72 : memref<128xi32, #tpu.memory_space<vmem>>) offsets(%dma_start3A_74 : memref<128xi32, #tpu.memory_space<vmem>>) semaphore(%arg22 : memref<!tpu.dma_semaphore, #tpu.memory_space<semaphore_mem>>)
      %dma_start3A_77 = arith.constant 1280 : i32
      %dma_start3A_78 = tpu.memref_slice %arg15[%dma_start3A_77] : memref<2000xi32, #tpu.memory_space<vmem>> -> memref<128xi32, #tpu.memory_space<vmem>>
      %dma_start3A_79 = arith.constant 1280 : i32
      %dma_start3A_80 = tpu.memref_slice %arg13[%dma_start3A_79] : memref<2000xi32, #tpu.memory_space<vmem>> -> memref<128xi32, #tpu.memory_space<vmem>>
      %dma_start3A_81 = arith.constant 0 : i32
      %dma_start3A_82 = tpu.memref_slice %arg2[%dma_start3A_81] : memref<51200000xi32, #tpu.memory_space<hbm>> -> memref<51200000xi32, #tpu.memory_space<hbm>>
      tpu.enqueue_indirect_dma source(%dma_start3A_82 : memref<51200000xi32, #tpu.memory_space<hbm>>) target(%dma_start3A_78 : memref<128xi32, #tpu.memory_space<vmem>>) offsets(%dma_start3A_80 : memref<128xi32, #tpu.memory_space<vmem>>) semaphore(%arg22 : memref<!tpu.dma_semaphore, #tpu.memory_space<semaphore_mem>>)
      %dma_start3A_83 = arith.constant 1408 : i32
      %dma_start3A_84 = tpu.memref_slice %arg15[%dma_start3A_83] : memref<2000xi32, #tpu.memory_space<vmem>> -> memref<128xi32, #tpu.memory_space<vmem>>
      %dma_start3A_85 = arith.constant 1408 : i32
      %dma_start3A_86 = tpu.memref_slice %arg13[%dma_start3A_85] : memref<2000xi32, #tpu.memory_space<vmem>> -> memref<128xi32, #tpu.memory_space<vmem>>
      %dma_start3A_87 = arith.constant 0 : i32
      %dma_start3A_88 = tpu.memref_slice %arg2[%dma_start3A_87] : memref<51200000xi32, #tpu.memory_space<hbm>> -> memref<51200000xi32, #tpu.memory_space<hbm>>
      tpu.enqueue_indirect_dma source(%dma_start3A_88 : memref<51200000xi32, #tpu.memory_space<hbm>>) target(%dma_start3A_84 : memref<128xi32, #tpu.memory_space<vmem>>) offsets(%dma_start3A_86 : memref<128xi32, #tpu.memory_space<vmem>>) semaphore(%arg22 : memref<!tpu.dma_semaphore, #tpu.memory_space<semaphore_mem>>)
      %dma_start3A_89 = arith.constant 1536 : i32
      %dma_start3A_90 = tpu.memref_slice %arg15[%dma_start3A_89] : memref<2000xi32, #tpu.memory_space<vmem>> -> memref<128xi32, #tpu.memory_space<vmem>>
      %dma_start3A_91 = arith.constant 1536 : i32
      %dma_start3A_92 = tpu.memref_slice %arg13[%dma_start3A_91] : memref<2000xi32, #tpu.memory_space<vmem>> -> memref<128xi32, #tpu.memory_space<vmem>>
      %dma_start3A_93 = arith.constant 0 : i32
      %dma_start3A_94 = tpu.memref_slice %arg2[%dma_start3A_93] : memref<51200000xi32, #tpu.memory_space<hbm>> -> memref<51200000xi32, #tpu.memory_space<hbm>>
      tpu.enqueue_indirect_dma source(%dma_start3A_94 : memref<51200000xi32, #tpu.memory_space<hbm>>) target(%dma_start3A_90 : memref<128xi32, #tpu.memory_space<vmem>>) offsets(%dma_start3A_92 : memref<128xi32, #tpu.memory_space<vmem>>) semaphore(%arg22 : memref<!tpu.dma_semaphore, #tpu.memory_space<semaphore_mem>>)
      %dma_start3A_95 = arith.constant 1664 : i32
      %dma_start3A_96 = tpu.memref_slice %arg15[%dma_start3A_95] : memref<2000xi32, #tpu.memory_space<vmem>> -> memref<128xi32, #tpu.memory_space<vmem>>
      %dma_start3A_97 = arith.constant 1664 : i32
      %dma_start3A_98 = tpu.memref_slice %arg13[%dma_start3A_97] : memref<2000xi32, #tpu.memory_space<vmem>> -> memref<128xi32, #tpu.memory_space<vmem>>
      %dma_start3A_99 = arith.constant 0 : i32
      %dma_start3A_100 = tpu.memref_slice %arg2[%dma_start3A_99] : memref<51200000xi32, #tpu.memory_space<hbm>> -> memref<51200000xi32, #tpu.memory_space<hbm>>
      tpu.enqueue_indirect_dma source(%dma_start3A_100 : memref<51200000xi32, #tpu.memory_space<hbm>>) target(%dma_start3A_96 : memref<128xi32, #tpu.memory_space<vmem>>) offsets(%dma_start3A_98 : memref<128xi32, #tpu.memory_space<vmem>>) semaphore(%arg22 : memref<!tpu.dma_semaphore, #tpu.memory_space<semaphore_mem>>)
      %dma_start3A_101 = arith.constant 1792 : i32
      %dma_start3A_102 = tpu.memref_slice %arg15[%dma_start3A_101] : memref<2000xi32, #tpu.memory_space<vmem>> -> memref<128xi32, #tpu.memory_space<vmem>>
      %dma_start3A_103 = arith.constant 1792 : i32
      %dma_start3A_104 = tpu.memref_slice %arg13[%dma_start3A_103] : memref<2000xi32, #tpu.memory_space<vmem>> -> memref<128xi32, #tpu.memory_space<vmem>>
      %dma_start3A_105 = arith.constant 0 : i32
      %dma_start3A_106 = tpu.memref_slice %arg2[%dma_start3A_105] : memref<51200000xi32, #tpu.memory_space<hbm>> -> memref<51200000xi32, #tpu.memory_space<hbm>>
      tpu.enqueue_indirect_dma source(%dma_start3A_106 : memref<51200000xi32, #tpu.memory_space<hbm>>) target(%dma_start3A_102 : memref<128xi32, #tpu.memory_space<vmem>>) offsets(%dma_start3A_104 : memref<128xi32, #tpu.memory_space<vmem>>) semaphore(%arg22 : memref<!tpu.dma_semaphore, #tpu.memory_space<semaphore_mem>>)
      %dma_start3A_107 = arith.constant 1920 : i32
      %dma_start3A_108 = tpu.memref_slice %arg15[%dma_start3A_107] : memref<2000xi32, #tpu.memory_space<vmem>> -> memref<80xi32, #tpu.memory_space<vmem>>
      %dma_start3A_109 = arith.constant 1920 : i32
      %dma_start3A_110 = tpu.memref_slice %arg13[%dma_start3A_109] : memref<2000xi32, #tpu.memory_space<vmem>> -> memref<80xi32, #tpu.memory_space<vmem>>
      %dma_start3A_111 = arith.constant 0 : i32
      %dma_start3A_112 = tpu.memref_slice %arg2[%dma_start3A_111] : memref<51200000xi32, #tpu.memory_space<hbm>> -> memref<51200000xi32, #tpu.memory_space<hbm>>
      tpu.enqueue_indirect_dma source(%dma_start3A_112 : memref<51200000xi32, #tpu.memory_space<hbm>>) target(%dma_start3A_108 : memref<80xi32, #tpu.memory_space<vmem>>) offsets(%dma_start3A_110 : memref<80xi32, #tpu.memory_space<vmem>>) semaphore(%arg22 : memref<!tpu.dma_semaphore, #tpu.memory_space<semaphore_mem>>)
      %dma_wait3A = arith.constant 0 : i32
      %dma_wait3A_113 = tpu.memref_slice %arg15[%dma_wait3A] : memref<2000xi32, #tpu.memory_space<vmem>> -> memref<128xi32, #tpu.memory_space<vmem>>
      %dma_wait3A_114 = arith.constant 0 : i32
      %dma_wait3A_115 = tpu.memref_slice %arg13[%dma_wait3A_114] : memref<2000xi32, #tpu.memory_space<vmem>> -> memref<128xi32, #tpu.memory_space<vmem>>
      %dma_wait3A_116 = arith.constant 0 : i32
      %dma_wait3A_117 = tpu.memref_slice %arg2[%dma_wait3A_116] : memref<51200000xi32, #tpu.memory_space<hbm>> -> memref<51200000xi32, #tpu.memory_space<hbm>>
      tpu.wait_indirect_dma semaphore(%arg22 : memref<!tpu.dma_semaphore, #tpu.memory_space<semaphore_mem>>) src(%dma_wait3A_117 : memref<51200000xi32, #tpu.memory_space<hbm>>) dst(%dma_wait3A_113 : memref<128xi32, #tpu.memory_space<vmem>>)
      %dma_wait3A_118 = arith.constant 128 : i32
      %dma_wait3A_119 = tpu.memref_slice %arg15[%dma_wait3A_118] : memref<2000xi32, #tpu.memory_space<vmem>> -> memref<128xi32, #tpu.memory_space<vmem>>
      %dma_wait3A_120 = arith.constant 128 : i32
      %dma_wait3A_121 = tpu.memref_slice %arg13[%dma_wait3A_120] : memref<2000xi32, #tpu.memory_space<vmem>> -> memref<128xi32, #tpu.memory_space<vmem>>
      %dma_wait3A_122 = arith.constant 0 : i32
      %dma_wait3A_123 = tpu.memref_slice %arg2[%dma_wait3A_122] : memref<51200000xi32, #tpu.memory_space<hbm>> -> memref<51200000xi32, #tpu.memory_space<hbm>>
      tpu.wait_indirect_dma semaphore(%arg22 : memref<!tpu.dma_semaphore, #tpu.memory_space<semaphore_mem>>) src(%dma_wait3A_123 : memref<51200000xi32, #tpu.memory_space<hbm>>) dst(%dma_wait3A_119 : memref<128xi32, #tpu.memory_space<vmem>>)
      %dma_wait3A_124 = arith.constant 256 : i32
      %dma_wait3A_125 = tpu.memref_slice %arg15[%dma_wait3A_124] : memref<2000xi32, #tpu.memory_space<vmem>> -> memref<128xi32, #tpu.memory_space<vmem>>
      %dma_wait3A_126 = arith.constant 256 : i32
      %dma_wait3A_127 = tpu.memref_slice %arg13[%dma_wait3A_126] : memref<2000xi32, #tpu.memory_space<vmem>> -> memref<128xi32, #tpu.memory_space<vmem>>
      %dma_wait3A_128 = arith.constant 0 : i32
      %dma_wait3A_129 = tpu.memref_slice %arg2[%dma_wait3A_128] : memref<51200000xi32, #tpu.memory_space<hbm>> -> memref<51200000xi32, #tpu.memory_space<hbm>>
      tpu.wait_indirect_dma semaphore(%arg22 : memref<!tpu.dma_semaphore, #tpu.memory_space<semaphore_mem>>) src(%dma_wait3A_129 : memref<51200000xi32, #tpu.memory_space<hbm>>) dst(%dma_wait3A_125 : memref<128xi32, #tpu.memory_space<vmem>>)
      %dma_wait3A_130 = arith.constant 384 : i32
      %dma_wait3A_131 = tpu.memref_slice %arg15[%dma_wait3A_130] : memref<2000xi32, #tpu.memory_space<vmem>> -> memref<128xi32, #tpu.memory_space<vmem>>
      %dma_wait3A_132 = arith.constant 384 : i32
      %dma_wait3A_133 = tpu.memref_slice %arg13[%dma_wait3A_132] : memref<2000xi32, #tpu.memory_space<vmem>> -> memref<128xi32, #tpu.memory_space<vmem>>
      %dma_wait3A_134 = arith.constant 0 : i32
      %dma_wait3A_135 = tpu.memref_slice %arg2[%dma_wait3A_134] : memref<51200000xi32, #tpu.memory_space<hbm>> -> memref<51200000xi32, #tpu.memory_space<hbm>>
      tpu.wait_indirect_dma semaphore(%arg22 : memref<!tpu.dma_semaphore, #tpu.memory_space<semaphore_mem>>) src(%dma_wait3A_135 : memref<51200000xi32, #tpu.memory_space<hbm>>) dst(%dma_wait3A_131 : memref<128xi32, #tpu.memory_space<vmem>>)
      %dma_wait3A_136 = arith.constant 512 : i32
      %dma_wait3A_137 = tpu.memref_slice %arg15[%dma_wait3A_136] : memref<2000xi32, #tpu.memory_space<vmem>> -> memref<128xi32, #tpu.memory_space<vmem>>
      %dma_wait3A_138 = arith.constant 512 : i32
      %dma_wait3A_139 = tpu.memref_slice %arg13[%dma_wait3A_138] : memref<2000xi32, #tpu.memory_space<vmem>> -> memref<128xi32, #tpu.memory_space<vmem>>
      %dma_wait3A_140 = arith.constant 0 : i32
      %dma_wait3A_141 = tpu.memref_slice %arg2[%dma_wait3A_140] : memref<51200000xi32, #tpu.memory_space<hbm>> -> memref<51200000xi32, #tpu.memory_space<hbm>>
      tpu.wait_indirect_dma semaphore(%arg22 : memref<!tpu.dma_semaphore, #tpu.memory_space<semaphore_mem>>) src(%dma_wait3A_141 : memref<51200000xi32, #tpu.memory_space<hbm>>) dst(%dma_wait3A_137 : memref<128xi32, #tpu.memory_space<vmem>>)
      %dma_wait3A_142 = arith.constant 640 : i32
      %dma_wait3A_143 = tpu.memref_slice %arg15[%dma_wait3A_142] : memref<2000xi32, #tpu.memory_space<vmem>> -> memref<128xi32, #tpu.memory_space<vmem>>
      %dma_wait3A_144 = arith.constant 640 : i32
      %dma_wait3A_145 = tpu.memref_slice %arg13[%dma_wait3A_144] : memref<2000xi32, #tpu.memory_space<vmem>> -> memref<128xi32, #tpu.memory_space<vmem>>
      %dma_wait3A_146 = arith.constant 0 : i32
      %dma_wait3A_147 = tpu.memref_slice %arg2[%dma_wait3A_146] : memref<51200000xi32, #tpu.memory_space<hbm>> -> memref<51200000xi32, #tpu.memory_space<hbm>>
      tpu.wait_indirect_dma semaphore(%arg22 : memref<!tpu.dma_semaphore, #tpu.memory_space<semaphore_mem>>) src(%dma_wait3A_147 : memref<51200000xi32, #tpu.memory_space<hbm>>) dst(%dma_wait3A_143 : memref<128xi32, #tpu.memory_space<vmem>>)
      %dma_wait3A_148 = arith.constant 768 : i32
      %dma_wait3A_149 = tpu.memref_slice %arg15[%dma_wait3A_148] : memref<2000xi32, #tpu.memory_space<vmem>> -> memref<128xi32, #tpu.memory_space<vmem>>
      %dma_wait3A_150 = arith.constant 768 : i32
      %dma_wait3A_151 = tpu.memref_slice %arg13[%dma_wait3A_150] : memref<2000xi32, #tpu.memory_space<vmem>> -> memref<128xi32, #tpu.memory_space<vmem>>
      %dma_wait3A_152 = arith.constant 0 : i32
      %dma_wait3A_153 = tpu.memref_slice %arg2[%dma_wait3A_152] : memref<51200000xi32, #tpu.memory_space<hbm>> -> memref<51200000xi32, #tpu.memory_space<hbm>>
      tpu.wait_indirect_dma semaphore(%arg22 : memref<!tpu.dma_semaphore, #tpu.memory_space<semaphore_mem>>) src(%dma_wait3A_153 : memref<51200000xi32, #tpu.memory_space<hbm>>) dst(%dma_wait3A_149 : memref<128xi32, #tpu.memory_space<vmem>>)
      %dma_wait3A_154 = arith.constant 896 : i32
      %dma_wait3A_155 = tpu.memref_slice %arg15[%dma_wait3A_154] : memref<2000xi32, #tpu.memory_space<vmem>> -> memref<128xi32, #tpu.memory_space<vmem>>
      %dma_wait3A_156 = arith.constant 896 : i32
      %dma_wait3A_157 = tpu.memref_slice %arg13[%dma_wait3A_156] : memref<2000xi32, #tpu.memory_space<vmem>> -> memref<128xi32, #tpu.memory_space<vmem>>
      %dma_wait3A_158 = arith.constant 0 : i32
      %dma_wait3A_159 = tpu.memref_slice %arg2[%dma_wait3A_158] : memref<51200000xi32, #tpu.memory_space<hbm>> -> memref<51200000xi32, #tpu.memory_space<hbm>>
      tpu.wait_indirect_dma semaphore(%arg22 : memref<!tpu.dma_semaphore, #tpu.memory_space<semaphore_mem>>) src(%dma_wait3A_159 : memref<51200000xi32, #tpu.memory_space<hbm>>) dst(%dma_wait3A_155 : memref<128xi32, #tpu.memory_space<vmem>>)
      %dma_wait3A_160 = arith.constant 1024 : i32
      %dma_wait3A_161 = tpu.memref_slice %arg15[%dma_wait3A_160] : memref<2000xi32, #tpu.memory_space<vmem>> -> memref<128xi32, #tpu.memory_space<vmem>>
      %dma_wait3A_162 = arith.constant 1024 : i32
      %dma_wait3A_163 = tpu.memref_slice %arg13[%dma_wait3A_162] : memref<2000xi32, #tpu.memory_space<vmem>> -> memref<128xi32, #tpu.memory_space<vmem>>
      %dma_wait3A_164 = arith.constant 0 : i32
      %dma_wait3A_165 = tpu.memref_slice %arg2[%dma_wait3A_164] : memref<51200000xi32, #tpu.memory_space<hbm>> -> memref<51200000xi32, #tpu.memory_space<hbm>>
      tpu.wait_indirect_dma semaphore(%arg22 : memref<!tpu.dma_semaphore, #tpu.memory_space<semaphore_mem>>) src(%dma_wait3A_165 : memref<51200000xi32, #tpu.memory_space<hbm>>) dst(%dma_wait3A_161 : memref<128xi32, #tpu.memory_space<vmem>>)
      %dma_wait3A_166 = arith.constant 1152 : i32
      %dma_wait3A_167 = tpu.memref_slice %arg15[%dma_wait3A_166] : memref<2000xi32, #tpu.memory_space<vmem>> -> memref<128xi32, #tpu.memory_space<vmem>>
      %dma_wait3A_168 = arith.constant 1152 : i32
      %dma_wait3A_169 = tpu.memref_slice %arg13[%dma_wait3A_168] : memref<2000xi32, #tpu.memory_space<vmem>> -> memref<128xi32, #tpu.memory_space<vmem>>
      %dma_wait3A_170 = arith.constant 0 : i32
      %dma_wait3A_171 = tpu.memref_slice %arg2[%dma_wait3A_170] : memref<51200000xi32, #tpu.memory_space<hbm>> -> memref<51200000xi32, #tpu.memory_space<hbm>>
      tpu.wait_indirect_dma semaphore(%arg22 : memref<!tpu.dma_semaphore, #tpu.memory_space<semaphore_mem>>) src(%dma_wait3A_171 : memref<51200000xi32, #tpu.memory_space<hbm>>) dst(%dma_wait3A_167 : memref<128xi32, #tpu.memory_space<vmem>>)
      %dma_wait3A_172 = arith.constant 1280 : i32
      %dma_wait3A_173 = tpu.memref_slice %arg15[%dma_wait3A_172] : memref<2000xi32, #tpu.memory_space<vmem>> -> memref<128xi32, #tpu.memory_space<vmem>>
      %dma_wait3A_174 = arith.constant 1280 : i32
      %dma_wait3A_175 = tpu.memref_slice %arg13[%dma_wait3A_174] : memref<2000xi32, #tpu.memory_space<vmem>> -> memref<128xi32, #tpu.memory_space<vmem>>
      %dma_wait3A_176 = arith.constant 0 : i32
      %dma_wait3A_177 = tpu.memref_slice %arg2[%dma_wait3A_176] : memref<51200000xi32, #tpu.memory_space<hbm>> -> memref<51200000xi32, #tpu.memory_space<hbm>>
      tpu.wait_indirect_dma semaphore(%arg22 : memref<!tpu.dma_semaphore, #tpu.memory_space<semaphore_mem>>) src(%dma_wait3A_177 : memref<51200000xi32, #tpu.memory_space<hbm>>) dst(%dma_wait3A_173 : memref<128xi32, #tpu.memory_space<vmem>>)
      %dma_wait3A_178 = arith.constant 1408 : i32
      %dma_wait3A_179 = tpu.memref_slice %arg15[%dma_wait3A_178] : memref<2000xi32, #tpu.memory_space<vmem>> -> memref<128xi32, #tpu.memory_space<vmem>>
      %dma_wait3A_180 = arith.constant 1408 : i32
      %dma_wait3A_181 = tpu.memref_slice %arg13[%dma_wait3A_180] : memref<2000xi32, #tpu.memory_space<vmem>> -> memref<128xi32, #tpu.memory_space<vmem>>
      %dma_wait3A_182 = arith.constant 0 : i32
      %dma_wait3A_183 = tpu.memref_slice %arg2[%dma_wait3A_182] : memref<51200000xi32, #tpu.memory_space<hbm>> -> memref<51200000xi32, #tpu.memory_space<hbm>>
      tpu.wait_indirect_dma semaphore(%arg22 : memref<!tpu.dma_semaphore, #tpu.memory_space<semaphore_mem>>) src(%dma_wait3A_183 : memref<51200000xi32, #tpu.memory_space<hbm>>) dst(%dma_wait3A_179 : memref<128xi32, #tpu.memory_space<vmem>>)
      %dma_wait3A_184 = arith.constant 1536 : i32
      %dma_wait3A_185 = tpu.memref_slice %arg15[%dma_wait3A_184] : memref<2000xi32, #tpu.memory_space<vmem>> -> memref<128xi32, #tpu.memory_space<vmem>>
      %dma_wait3A_186 = arith.constant 1536 : i32
      %dma_wait3A_187 = tpu.memref_slice %arg13[%dma_wait3A_186] : memref<2000xi32, #tpu.memory_space<vmem>> -> memref<128xi32, #tpu.memory_space<vmem>>
      %dma_wait3A_188 = arith.constant 0 : i32
      %dma_wait3A_189 = tpu.memref_slice %arg2[%dma_wait3A_188] : memref<51200000xi32, #tpu.memory_space<hbm>> -> memref<51200000xi32, #tpu.memory_space<hbm>>
      tpu.wait_indirect_dma semaphore(%arg22 : memref<!tpu.dma_semaphore, #tpu.memory_space<semaphore_mem>>) src(%dma_wait3A_189 : memref<51200000xi32, #tpu.memory_space<hbm>>) dst(%dma_wait3A_185 : memref<128xi32, #tpu.memory_space<vmem>>)
      %dma_wait3A_190 = arith.constant 1664 : i32
      %dma_wait3A_191 = tpu.memref_slice %arg15[%dma_wait3A_190] : memref<2000xi32, #tpu.memory_space<vmem>> -> memref<128xi32, #tpu.memory_space<vmem>>
      %dma_wait3A_192 = arith.constant 1664 : i32
      %dma_wait3A_193 = tpu.memref_slice %arg13[%dma_wait3A_192] : memref<2000xi32, #tpu.memory_space<vmem>> -> memref<128xi32, #tpu.memory_space<vmem>>
      %dma_wait3A_194 = arith.constant 0 : i32
      %dma_wait3A_195 = tpu.memref_slice %arg2[%dma_wait3A_194] : memref<51200000xi32, #tpu.memory_space<hbm>> -> memref<51200000xi32, #tpu.memory_space<hbm>>
      tpu.wait_indirect_dma semaphore(%arg22 : memref<!tpu.dma_semaphore, #tpu.memory_space<semaphore_mem>>) src(%dma_wait3A_195 : memref<51200000xi32, #tpu.memory_space<hbm>>) dst(%dma_wait3A_191 : memref<128xi32, #tpu.memory_space<vmem>>)
      %dma_wait3A_196 = arith.constant 1792 : i32
      %dma_wait3A_197 = tpu.memref_slice %arg15[%dma_wait3A_196] : memref<2000xi32, #tpu.memory_space<vmem>> -> memref<128xi32, #tpu.memory_space<vmem>>
      %dma_wait3A_198 = arith.constant 1792 : i32
      %dma_wait3A_199 = tpu.memref_slice %arg13[%dma_wait3A_198] : memref<2000xi32, #tpu.memory_space<vmem>> -> memref<128xi32, #tpu.memory_space<vmem>>
      %dma_wait3A_200 = arith.constant 0 : i32
      %dma_wait3A_201 = tpu.memref_slice %arg2[%dma_wait3A_200] : memref<51200000xi32, #tpu.memory_space<hbm>> -> memref<51200000xi32, #tpu.memory_space<hbm>>
      tpu.wait_indirect_dma semaphore(%arg22 : memref<!tpu.dma_semaphore, #tpu.memory_space<semaphore_mem>>) src(%dma_wait3A_201 : memref<51200000xi32, #tpu.memory_space<hbm>>) dst(%dma_wait3A_197 : memref<128xi32, #tpu.memory_space<vmem>>)
      %dma_wait3A_202 = arith.constant 1920 : i32
      %dma_wait3A_203 = tpu.memref_slice %arg15[%dma_wait3A_202] : memref<2000xi32, #tpu.memory_space<vmem>> -> memref<80xi32, #tpu.memory_space<vmem>>
      %dma_wait3A_204 = arith.constant 1920 : i32
      %dma_wait3A_205 = tpu.memref_slice %arg13[%dma_wait3A_204] : memref<2000xi32, #tpu.memory_space<vmem>> -> memref<80xi32, #tpu.memory_space<vmem>>
      %dma_wait3A_206 = arith.constant 0 : i32
      %dma_wait3A_207 = tpu.memref_slice %arg2[%dma_wait3A_206] : memref<51200000xi32, #tpu.memory_space<hbm>> -> memref<51200000xi32, #tpu.memory_space<hbm>>
      tpu.wait_indirect_dma semaphore(%arg22 : memref<!tpu.dma_semaphore, #tpu.memory_space<semaphore_mem>>) src(%dma_wait3A_207 : memref<51200000xi32, #tpu.memory_space<hbm>>) dst(%dma_wait3A_203 : memref<80xi32, #tpu.memory_space<vmem>>)
      %scan3A_208 = arith.constant 0 : i32
      %scan3A_209 = arith.constant 0 : i32
      %scan3A_210 = arith.constant 125 : i32
      %scan3A_211 = arith.addi %scan3A_209, %scan3A_210 : i32
      %scan3A_212 = arith.constant 1 : i32
      scf.for %scan3A_214 = %scan3A_209 to %scan3A_211 step %scan3A_212  : i32 {
        %mul3A_215 = arith.constant 16 : i32
        %mul3A_216 = arith.muli %scan3A_214, %mul3A_215 : i32
        %get3A = arith.index_cast %mul3A_216 : i32 to index
        %get3A_217 = tpu.vector_load %arg15[%get3A] {strides = array<i32>} : memref<2000xi32, #tpu.memory_space<vmem>>, vector<16xi32>,
        %get3A_218 = arith.index_cast %mul3A_216 : i32 to index
        %get3A_219 = tpu.vector_load %arg14[%get3A_218] {strides = array<i32>} : memref<2000xi32, #tpu.memory_space<vmem>>, vector<16xi32>,
        %shift_right_logical3A = arith.shrui %get3A_217, %get3A_219 : vector<16xi32>
        %shift_left3A = arith.constant 16 : i32
        %shift_left3A_220 = vector.broadcast %shift_left3A : i32 to vector<16xi32>
        %shift_left3A_221 = arith.shli %shift_right_logical3A, %shift_left3A_220 : vector<16xi32>
        %bitcast3A = vector.bitcast %shift_left3A_221 : vector<16xi32> to vector<16xf32>
        %get3A_222 = arith.index_cast %mul3A_216 : i32 to index
        %get3A_223 = tpu.vector_load %arg19[%get3A_222] {strides = array<i32>} : memref<2000xf32, #tpu.memory_space<vmem>>, vector<16xf32>,
        %mul3A_224 = arith.constant 2.000000e+00 : f32
        %mul3A_225 = vector.broadcast %mul3A_224 : f32 to vector<16xf32>
        %mul3A_226 = arith.mulf %mul3A_225, %bitcast3A : vector<16xf32>
        %sub3A = arith.subf %get3A_223, %mul3A_226 : vector<16xf32>
        %max3A = arith.constant 0.000000e+00 : f32
        %max3A_227 = vector.broadcast %max3A : f32 to vector<16xf32>
        %max3A_228 = arith.maximumf %sub3A, %max3A_227 : vector<16xf32>
        %swap3A = arith.index_cast %mul3A_216 : i32 to index
        %swap3A_229 = tpu.vector_load %arg19[%swap3A] {strides = array<i32>} : memref<2000xf32, #tpu.memory_space<vmem>>, vector<16xf32>,
        tpu.vector_store %arg19[%swap3A], %max3A_228 {strides = array<i32>} : memref<2000xf32, #tpu.memory_space<vmem>>, vector<16xf32>,
      }
      %scan3A_213 = arith.constant 125 : i32
      "tpu.region"() ({
        %run_scoped3A = tpu.sem_alloc : memref<!tpu.dma_semaphore, #tpu.memory_space<semaphore_mem>>
        %dma_start3A_214 = tpu.memref_slice %arg8[%add3A_11] : memref<320000xf32, #tpu.memory_space<hbm>> -> memref<2000xf32, #tpu.memory_space<hbm>>
        %dma_start3A_215 = tpu.memref_slice %arg8[%add3A_11] : memref<320000xf32, #tpu.memory_space<hbm>> -> memref<2000xf32, #tpu.memory_space<hbm>>
        tpu.enqueue_dma source(%arg19 : memref<2000xf32, #tpu.memory_space<vmem>>) target(%dma_start3A_215 : memref<2000xf32, #tpu.memory_space<hbm>>) target_semaphore(%run_scoped3A : memref<!tpu.dma_semaphore, #tpu.memory_space<semaphore_mem>>)
        %dma_wait3A_216 = tpu.memref_slice %arg8[%add3A_11] : memref<320000xf32, #tpu.memory_space<hbm>> -> memref<2000xf32, #tpu.memory_space<hbm>>
        %dma_wait3A_217 = tpu.memref_slice %arg8[%add3A_11] : memref<320000xf32, #tpu.memory_space<hbm>> -> memref<2000xf32, #tpu.memory_space<hbm>>
        tpu.wait_dma2 semaphore(%run_scoped3A : memref<!tpu.dma_semaphore, #tpu.memory_space<semaphore_mem>>) src(%arg19 : memref<2000xf32, #tpu.memory_space<vmem>>) dst(%dma_wait3A_217 : memref<2000xf32, #tpu.memory_space<hbm>>)
        tpu.yield
      }) : () -> ()
      "tpu.region"() ({
        %run_scoped3A = tpu.sem_alloc : memref<!tpu.dma_semaphore, #tpu.memory_space<semaphore_mem>>
        %dma_start3A_214 = tpu.memref_slice %arg9[%add3A_11] : memref<320000xf32, #tpu.memory_space<hbm>> -> memref<2000xf32, #tpu.memory_space<hbm>>
        %dma_start3A_215 = tpu.memref_slice %arg9[%add3A_11] : memref<320000xf32, #tpu.memory_space<hbm>> -> memref<2000xf32, #tpu.memory_space<hbm>>
        tpu.enqueue_dma source(%arg20 : memref<2000xf32, #tpu.memory_space<vmem>>) target(%dma_start3A_215 : memref<2000xf32, #tpu.memory_space<hbm>>) target_semaphore(%run_scoped3A : memref<!tpu.dma_semaphore, #tpu.memory_space<semaphore_mem>>)
        %dma_wait3A_216 = tpu.memref_slice %arg9[%add3A_11] : memref<320000xf32, #tpu.memory_space<hbm>> -> memref<2000xf32, #tpu.memory_space<hbm>>
        %dma_wait3A_217 = tpu.memref_slice %arg9[%add3A_11] : memref<320000xf32, #tpu.memory_space<hbm>> -> memref<2000xf32, #tpu.memory_space<hbm>>
        tpu.wait_dma2 semaphore(%run_scoped3A : memref<!tpu.dma_semaphore, #tpu.memory_space<semaphore_mem>>) src(%arg20 : memref<2000xf32, #tpu.memory_space<vmem>>) dst(%dma_wait3A_217 : memref<2000xf32, #tpu.memory_space<hbm>>)
        tpu.yield
      }) : () -> ()
      "tpu.region"() ({
        %run_scoped3A = tpu.sem_alloc : memref<!tpu.dma_semaphore, #tpu.memory_space<semaphore_mem>>
        %dma_start3A_214 = tpu.memref_slice %arg10[%add3A_11] : memref<320000xf32, #tpu.memory_space<hbm>> -> memref<2000xf32, #tpu.memory_space<hbm>>
        %dma_start3A_215 = tpu.memref_slice %arg10[%add3A_11] : memref<320000xf32, #tpu.memory_space<hbm>> -> memref<2000xf32, #tpu.memory_space<hbm>>
        tpu.enqueue_dma source(%arg21 : memref<2000xf32, #tpu.memory_space<vmem>>) target(%dma_start3A_215 : memref<2000xf32, #tpu.memory_space<hbm>>) target_semaphore(%run_scoped3A : memref<!tpu.dma_semaphore, #tpu.memory_space<semaphore_mem>>)
        %dma_wait3A_216 = tpu.memref_slice %arg10[%add3A_11] : memref<320000xf32, #tpu.memory_space<hbm>> -> memref<2000xf32, #tpu.memory_space<hbm>>
        %dma_wait3A_217 = tpu.memref_slice %arg10[%add3A_11] : memref<320000xf32, #tpu.memory_space<hbm>> -> memref<2000xf32, #tpu.memory_space<hbm>>
        tpu.wait_dma2 semaphore(%run_scoped3A : memref<!tpu.dma_semaphore, #tpu.memory_space<semaphore_mem>>) src(%arg21 : memref<2000xf32, #tpu.memory_space<vmem>>) dst(%dma_wait3A_217 : memref<2000xf32, #tpu.memory_space<hbm>>)
        tpu.yield
      }) : () -> ()
    }
    %scan3A_5 = arith.constant 5 : i32
    return
  }
}

#map = affine_map<(d0, d1) -> (0)>
module attributes {stable_mosaic.version = 14 : i64} {
  func.func @_sc_edges_body(%arg0: i32, %arg1: i32, %arg2: memref<51200000xi32, #tpu.memory_space<hbm>>, %arg3: memref<320000xi32, #tpu.memory_space<hbm>>, %arg4: memref<320000xi32, #tpu.memory_space<hbm>>, %arg5: memref<10000xf32, #tpu.memory_space<hbm>>, %arg6: memref<10000xf32, #tpu.memory_space<hbm>>, %arg7: memref<10000xi32, #tpu.memory_space<hbm>>, %arg8: memref<320000xf32, #tpu.memory_space<hbm>>, %arg9: memref<320000xf32, #tpu.memory_space<hbm>>, %arg10: memref<320000xf32, #tpu.memory_space<hbm>>, %arg11: memref<2000xi32, #tpu.memory_space<vmem>>, %arg12: memref<2000xi32, #tpu.memory_space<vmem>>, %arg13: memref<2000xi32, #tpu.memory_space<vmem>>, %arg14: memref<2000xi32, #tpu.memory_space<vmem>>, %arg15: memref<2000xi32, #tpu.memory_space<vmem>>, %arg16: memref<10000xf32, #tpu.memory_space<vmem>>, %arg17: memref<10000xf32, #tpu.memory_space<vmem>>, %arg18: memref<10000xi32, #tpu.memory_space<vmem>>, %arg19: memref<2000xf32, #tpu.memory_space<vmem>>, %arg20: memref<2000xf32, #tpu.memory_space<vmem>>, %arg21: memref<2000xf32, #tpu.memory_space<vmem>>, %arg22: memref<!tpu.dma_semaphore, #tpu.memory_space<semaphore_mem>>) attributes {dimension_semantics = [#tpu.dimension_semantics<core_parallel>, #tpu.dimension_semantics<subcore_parallel>], iteration_bounds = array<i64: 2, 16>, scalar_prefetch = 0 : i64, scratch_operands = 12 : i64, tpu.core_type = #tpu.core_type<sc_vector_subcore>, window_params = [{transform_indices = #map}, {transform_indices = #map}, {transform_indices = #map}, {transform_indices = #map}, {transform_indices = #map}, {transform_indices = #map}, {transform_indices = #map}, {transform_indices = #map}, {transform_indices = #map}]} {
    %mul3A = arith.constant 2 : i32
    %mul3A_0 = arith.muli %arg1, %mul3A : i32
    %add3A = arith.addi %mul3A_0, %arg0 : i32
    "tpu.region"() ({
      %run_scoped3A = tpu.sem_alloc : memref<!tpu.dma_semaphore, #tpu.memory_space<semaphore_mem>>
      tpu.enqueue_dma source(%arg5 : memref<10000xf32, #tpu.memory_space<hbm>>) target(%arg16 : memref<10000xf32, #tpu.memory_space<vmem>>) target_semaphore(%run_scoped3A : memref<!tpu.dma_semaphore, #tpu.memory_space<semaphore_mem>>)
      tpu.wait_dma2 semaphore(%run_scoped3A : memref<!tpu.dma_semaphore, #tpu.memory_space<semaphore_mem>>) src(%arg5 : memref<10000xf32, #tpu.memory_space<hbm>>) dst(%arg16 : memref<10000xf32, #tpu.memory_space<vmem>>)
      tpu.yield
    }) : () -> ()
    "tpu.region"() ({
      %run_scoped3A = tpu.sem_alloc : memref<!tpu.dma_semaphore, #tpu.memory_space<semaphore_mem>>
      tpu.enqueue_dma source(%arg6 : memref<10000xf32, #tpu.memory_space<hbm>>) target(%arg17 : memref<10000xf32, #tpu.memory_space<vmem>>) target_semaphore(%run_scoped3A : memref<!tpu.dma_semaphore, #tpu.memory_space<semaphore_mem>>)
      tpu.wait_dma2 semaphore(%run_scoped3A : memref<!tpu.dma_semaphore, #tpu.memory_space<semaphore_mem>>) src(%arg6 : memref<10000xf32, #tpu.memory_space<hbm>>) dst(%arg17 : memref<10000xf32, #tpu.memory_space<vmem>>)
      tpu.yield
    }) : () -> ()
    "tpu.region"() ({
      %run_scoped3A = tpu.sem_alloc : memref<!tpu.dma_semaphore, #tpu.memory_space<semaphore_mem>>
      tpu.enqueue_dma source(%arg7 : memref<10000xi32, #tpu.memory_space<hbm>>) target(%arg18 : memref<10000xi32, #tpu.memory_space<vmem>>) target_semaphore(%run_scoped3A : memref<!tpu.dma_semaphore, #tpu.memory_space<semaphore_mem>>)
      tpu.wait_dma2 semaphore(%run_scoped3A : memref<!tpu.dma_semaphore, #tpu.memory_space<semaphore_mem>>) src(%arg7 : memref<10000xi32, #tpu.memory_space<hbm>>) dst(%arg18 : memref<10000xi32, #tpu.memory_space<vmem>>)
      tpu.yield
    }) : () -> ()
    %scan3A = arith.constant 0 : i32
    %scan3A_1 = arith.constant 0 : i32
    %scan3A_2 = arith.constant 5 : i32
    %scan3A_3 = arith.addi %scan3A_1, %scan3A_2 : i32
    %scan3A_4 = arith.constant 1 : i32
    scf.for %scan3A_6 = %scan3A_1 to %scan3A_3 step %scan3A_4  : i32 {
      %mul3A_7 = arith.constant 10000 : i32
      %mul3A_8 = arith.muli %add3A, %mul3A_7 : i32
      %mul3A_9 = arith.constant 2000 : i32
      %mul3A_10 = arith.muli %scan3A_6, %mul3A_9 : i32
      %add3A_11 = arith.addi %mul3A_8, %mul3A_10 : i32
      "tpu.region"() ({
        %run_scoped3A = tpu.sem_alloc : memref<!tpu.dma_semaphore, #tpu.memory_space<semaphore_mem>>
        %dma_start3A_214 = tpu.memref_slice %arg3[%add3A_11] : memref<320000xi32, #tpu.memory_space<hbm>> -> memref<2000xi32, #tpu.memory_space<hbm>>
        %dma_start3A_215 = tpu.memref_slice %arg3[%add3A_11] : memref<320000xi32, #tpu.memory_space<hbm>> -> memref<2000xi32, #tpu.memory_space<hbm>>
        tpu.enqueue_dma source(%dma_start3A_215 : memref<2000xi32, #tpu.memory_space<hbm>>) target(%arg11 : memref<2000xi32, #tpu.memory_space<vmem>>) target_semaphore(%run_scoped3A : memref<!tpu.dma_semaphore, #tpu.memory_space<semaphore_mem>>)
        %dma_wait3A_216 = tpu.memref_slice %arg3[%add3A_11] : memref<320000xi32, #tpu.memory_space<hbm>> -> memref<2000xi32, #tpu.memory_space<hbm>>
        %dma_wait3A_217 = tpu.memref_slice %arg3[%add3A_11] : memref<320000xi32, #tpu.memory_space<hbm>> -> memref<2000xi32, #tpu.memory_space<hbm>>
        tpu.wait_dma2 semaphore(%run_scoped3A : memref<!tpu.dma_semaphore, #tpu.memory_space<semaphore_mem>>) src(%dma_wait3A_217 : memref<2000xi32, #tpu.memory_space<hbm>>) dst(%arg11 : memref<2000xi32, #tpu.memory_space<vmem>>)
        tpu.yield
      }) : () -> ()
      "tpu.region"() ({
        %run_scoped3A = tpu.sem_alloc : memref<!tpu.dma_semaphore, #tpu.memory_space<semaphore_mem>>
        %dma_start3A_214 = tpu.memref_slice %arg4[%add3A_11] : memref<320000xi32, #tpu.memory_space<hbm>> -> memref<2000xi32, #tpu.memory_space<hbm>>
        %dma_start3A_215 = tpu.memref_slice %arg4[%add3A_11] : memref<320000xi32, #tpu.memory_space<hbm>> -> memref<2000xi32, #tpu.memory_space<hbm>>
        tpu.enqueue_dma source(%dma_start3A_215 : memref<2000xi32, #tpu.memory_space<hbm>>) target(%arg12 : memref<2000xi32, #tpu.memory_space<vmem>>) target_semaphore(%run_scoped3A : memref<!tpu.dma_semaphore, #tpu.memory_space<semaphore_mem>>)
        %dma_wait3A_216 = tpu.memref_slice %arg4[%add3A_11] : memref<320000xi32, #tpu.memory_space<hbm>> -> memref<2000xi32, #tpu.memory_space<hbm>>
        %dma_wait3A_217 = tpu.memref_slice %arg4[%add3A_11] : memref<320000xi32, #tpu.memory_space<hbm>> -> memref<2000xi32, #tpu.memory_space<hbm>>
        tpu.wait_dma2 semaphore(%run_scoped3A : memref<!tpu.dma_semaphore, #tpu.memory_space<semaphore_mem>>) src(%dma_wait3A_217 : memref<2000xi32, #tpu.memory_space<hbm>>) dst(%arg12 : memref<2000xi32, #tpu.memory_space<vmem>>)
        tpu.yield
      }) : () -> ()
      %scan3A_12 = arith.constant 0 : i32
      %scan3A_13 = arith.constant 0 : i32
      %scan3A_14 = arith.constant 125 : i32
      %scan3A_15 = arith.addi %scan3A_13, %scan3A_14 : i32
      %scan3A_16 = arith.constant 1 : i32
      scf.for %scan3A_214 = %scan3A_13 to %scan3A_15 step %scan3A_16  : i32 {
        %mul3A_215 = arith.constant 16 : i32
        %mul3A_216 = arith.muli %scan3A_214, %mul3A_215 : i32
        %get3A = arith.index_cast %mul3A_216 : i32 to index
        %get3A_217 = tpu.vector_load %arg11[%get3A] {strides = array<i32>} : memref<2000xi32, #tpu.memory_space<vmem>>, vector<16xi32>,
        %get3A_218 = arith.index_cast %mul3A_216 : i32 to index
        %get3A_219 = tpu.vector_load %arg12[%get3A_218] {strides = array<i32>} : memref<2000xi32, #tpu.memory_space<vmem>>, vector<16xi32>,
        %min3A = arith.minsi %get3A_217, %get3A_219 : vector<16xi32>
        %max3A = arith.maxsi %get3A_217, %get3A_219 : vector<16xi32>
        %shift_right_logical3A = arith.constant 11 : i32
        %shift_right_logical3A_220 = vector.broadcast %shift_right_logical3A : i32 to vector<16xi32>
        %shift_right_logical3A_221 = arith.shrui %max3A, %shift_right_logical3A_220 : vector<16xi32>
        %shift_left3A = arith.constant 10 : i32
        %shift_left3A_222 = vector.broadcast %shift_left3A : i32 to vector<16xi32>
        %shift_left3A_223 = arith.shli %shift_right_logical3A_221, %shift_left3A_222 : vector<16xi32>
        %and3A = arith.constant 1023 : i32
        %and3A_224 = vector.broadcast %and3A : i32 to vector<16xi32>
        %and3A_225 = arith.andi %max3A, %and3A_224 : vector<16xi32>
        %add3A_226 = arith.addi %shift_left3A_223, %and3A_225 : vector<16xi32>
        %mul3A_227 = arith.constant 5120 : i32
        %mul3A_228 = vector.broadcast %mul3A_227 : i32 to vector<16xi32>
        %mul3A_229 = arith.muli %min3A, %mul3A_228 : vector<16xi32>
        %add3A_230 = arith.addi %mul3A_229, %add3A_226 : vector<16xi32>
        %swap3A = arith.index_cast %mul3A_216 : i32 to index
        %swap3A_231 = tpu.vector_load %arg13[%swap3A] {strides = array<i32>} : memref<2000xi32, #tpu.memory_space<vmem>>, vector<16xi32>,
        tpu.vector_store %arg13[%swap3A], %add3A_230 {strides = array<i32>} : memref<2000xi32, #tpu.memory_space<vmem>>, vector<16xi32>,
        %shift_right_logical3A_232 = arith.constant 10 : i32
        %shift_right_logical3A_233 = vector.broadcast %shift_right_logical3A_232 : i32 to vector<16xi32>
        %shift_right_logical3A_234 = arith.shrui %max3A, %shift_right_logical3A_233 : vector<16xi32>
        %and3A_235 = arith.constant 1 : i32
        %and3A_236 = vector.broadcast %and3A_235 : i32 to vector<16xi32>
        %and3A_237 = arith.andi %shift_right_logical3A_234, %and3A_236 : vector<16xi32>
        %shift_left3A_238 = arith.constant 4 : i32
        %shift_left3A_239 = vector.broadcast %shift_left3A_238 : i32 to vector<16xi32>
        %shift_left3A_240 = arith.shli %and3A_237, %shift_left3A_239 : vector<16xi32>
        %swap3A_241 = arith.index_cast %mul3A_216 : i32 to index
        %swap3A_242 = tpu.vector_load %arg14[%swap3A_241] {strides = array<i32>} : memref<2000xi32, #tpu.memory_space<vmem>>, vector<16xi32>,
        tpu.vector_store %arg14[%swap3A_241], %shift_left3A_240 {strides = array<i32>} : memref<2000xi32, #tpu.memory_space<vmem>>, vector<16xi32>,
        %gather3A = tpu.vector_load_idx %arg17[%get3A_217] : memref<10000xf32, #tpu.memory_space<vmem>>[vector<16xi32>], vector<16xf32>,
        %gather3A_243 = tpu.vector_load_idx %arg17[%get3A_219] : memref<10000xf32, #tpu.memory_space<vmem>>[vector<16xi32>], vector<16xf32>,
        %sub3A = arith.subf %gather3A, %gather3A_243 : vector<16xf32>
        %abs3A = math.absf %sub3A : vector<16xf32>
        %swap3A_244 = arith.index_cast %mul3A_216 : i32 to index
        %swap3A_245 = tpu.vector_load %arg20[%swap3A_244] {strides = array<i32>} : memref<2000xf32, #tpu.memory_space<vmem>>, vector<16xf32>,
        tpu.vector_store %arg20[%swap3A_244], %abs3A {strides = array<i32>} : memref<2000xf32, #tpu.memory_space<vmem>>, vector<16xf32>,
        %gather3A_246 = tpu.vector_load_idx %arg18[%get3A_217] : memref<10000xi32, #tpu.memory_space<vmem>>[vector<16xi32>], vector<16xi32>,
        %gather3A_247 = tpu.vector_load_idx %arg18[%get3A_219] : memref<10000xi32, #tpu.memory_space<vmem>>[vector<16xi32>], vector<16xi32>,
        %eq3A = arith.cmpi eq, %gather3A_246, %gather3A_247 : vector<16xi32>
        %jit3A = arith.constant 1.000000e+00 : f32
        %jit3A_248 = arith.constant 0.000000e+00 : f32
        %broadcast_in_dim3A = vector.broadcast %jit3A : f32 to vector<16xf32>
        %broadcast_in_dim3A_249 = vector.broadcast %jit3A_248 : f32 to vector<16xf32>
        %select_n3A = arith.select %eq3A, %broadcast_in_dim3A, %broadcast_in_dim3A_249 : vector<16xi1>, vector<16xf32>
        %swap3A_250 = arith.index_cast %mul3A_216 : i32 to index
        %swap3A_251 = tpu.vector_load %arg21[%swap3A_250] {strides = array<i32>} : memref<2000xf32, #tpu.memory_space<vmem>>, vector<16xf32>,
        tpu.vector_store %arg21[%swap3A_250], %select_n3A {strides = array<i32>} : memref<2000xf32, #tpu.memory_space<vmem>>, vector<16xf32>,
        %gather3A_252 = tpu.vector_load_idx %arg16[%get3A_217] : memref<10000xf32, #tpu.memory_space<vmem>>[vector<16xi32>], vector<16xf32>,
        %gather3A_253 = tpu.vector_load_idx %arg16[%get3A_219] : memref<10000xf32, #tpu.memory_space<vmem>>[vector<16xi32>], vector<16xf32>,
        %add3A_254 = arith.addf %gather3A_252, %gather3A_253 : vector<16xf32>
        %swap3A_255 = arith.index_cast %mul3A_216 : i32 to index
        %swap3A_256 = tpu.vector_load %arg19[%swap3A_255] {strides = array<i32>} : memref<2000xf32, #tpu.memory_space<vmem>>, vector<16xf32>,
        tpu.vector_store %arg19[%swap3A_255], %add3A_254 {strides = array<i32>} : memref<2000xf32, #tpu.memory_space<vmem>>, vector<16xf32>,
      }
      %scan3A_17 = arith.constant 125 : i32
      %dma_start3A = arith.constant 0 : i32
      %dma_start3A_18 = tpu.memref_slice %arg15[%dma_start3A] : memref<2000xi32, #tpu.memory_space<vmem>> -> memref<128xi32, #tpu.memory_space<vmem>>
      %dma_start3A_19 = arith.constant 0 : i32
      %dma_start3A_20 = tpu.memref_slice %arg13[%dma_start3A_19] : memref<2000xi32, #tpu.memory_space<vmem>> -> memref<128xi32, #tpu.memory_space<vmem>>
      %dma_start3A_21 = arith.constant 0 : i32
      %dma_start3A_22 = tpu.memref_slice %arg2[%dma_start3A_21] : memref<51200000xi32, #tpu.memory_space<hbm>> -> memref<51200000xi32, #tpu.memory_space<hbm>>
      tpu.enqueue_indirect_dma source(%dma_start3A_22 : memref<51200000xi32, #tpu.memory_space<hbm>>) target(%dma_start3A_18 : memref<128xi32, #tpu.memory_space<vmem>>) offsets(%dma_start3A_20 : memref<128xi32, #tpu.memory_space<vmem>>) semaphore(%arg22 : memref<!tpu.dma_semaphore, #tpu.memory_space<semaphore_mem>>)
      %dma_start3A_23 = arith.constant 128 : i32
      %dma_start3A_24 = tpu.memref_slice %arg15[%dma_start3A_23] : memref<2000xi32, #tpu.memory_space<vmem>> -> memref<128xi32, #tpu.memory_space<vmem>>
      %dma_start3A_25 = arith.constant 128 : i32
      %dma_start3A_26 = tpu.memref_slice %arg13[%dma_start3A_25] : memref<2000xi32, #tpu.memory_space<vmem>> -> memref<128xi32, #tpu.memory_space<vmem>>
      %dma_start3A_27 = arith.constant 0 : i32
      %dma_start3A_28 = tpu.memref_slice %arg2[%dma_start3A_27] : memref<51200000xi32, #tpu.memory_space<hbm>> -> memref<51200000xi32, #tpu.memory_space<hbm>>
      tpu.enqueue_indirect_dma source(%dma_start3A_28 : memref<51200000xi32, #tpu.memory_space<hbm>>) target(%dma_start3A_24 : memref<128xi32, #tpu.memory_space<vmem>>) offsets(%dma_start3A_26 : memref<128xi32, #tpu.memory_space<vmem>>) semaphore(%arg22 : memref<!tpu.dma_semaphore, #tpu.memory_space<semaphore_mem>>)
      %dma_start3A_29 = arith.constant 256 : i32
      %dma_start3A_30 = tpu.memref_slice %arg15[%dma_start3A_29] : memref<2000xi32, #tpu.memory_space<vmem>> -> memref<128xi32, #tpu.memory_space<vmem>>
      %dma_start3A_31 = arith.constant 256 : i32
      %dma_start3A_32 = tpu.memref_slice %arg13[%dma_start3A_31] : memref<2000xi32, #tpu.memory_space<vmem>> -> memref<128xi32, #tpu.memory_space<vmem>>
      %dma_start3A_33 = arith.constant 0 : i32
      %dma_start3A_34 = tpu.memref_slice %arg2[%dma_start3A_33] : memref<51200000xi32, #tpu.memory_space<hbm>> -> memref<51200000xi32, #tpu.memory_space<hbm>>
      tpu.enqueue_indirect_dma source(%dma_start3A_34 : memref<51200000xi32, #tpu.memory_space<hbm>>) target(%dma_start3A_30 : memref<128xi32, #tpu.memory_space<vmem>>) offsets(%dma_start3A_32 : memref<128xi32, #tpu.memory_space<vmem>>) semaphore(%arg22 : memref<!tpu.dma_semaphore, #tpu.memory_space<semaphore_mem>>)
      %dma_start3A_35 = arith.constant 384 : i32
      %dma_start3A_36 = tpu.memref_slice %arg15[%dma_start3A_35] : memref<2000xi32, #tpu.memory_space<vmem>> -> memref<128xi32, #tpu.memory_space<vmem>>
      %dma_start3A_37 = arith.constant 384 : i32
      %dma_start3A_38 = tpu.memref_slice %arg13[%dma_start3A_37] : memref<2000xi32, #tpu.memory_space<vmem>> -> memref<128xi32, #tpu.memory_space<vmem>>
      %dma_start3A_39 = arith.constant 0 : i32
      %dma_start3A_40 = tpu.memref_slice %arg2[%dma_start3A_39] : memref<51200000xi32, #tpu.memory_space<hbm>> -> memref<51200000xi32, #tpu.memory_space<hbm>>
      tpu.enqueue_indirect_dma source(%dma_start3A_40 : memref<51200000xi32, #tpu.memory_space<hbm>>) target(%dma_start3A_36 : memref<128xi32, #tpu.memory_space<vmem>>) offsets(%dma_start3A_38 : memref<128xi32, #tpu.memory_space<vmem>>) semaphore(%arg22 : memref<!tpu.dma_semaphore, #tpu.memory_space<semaphore_mem>>)
      %dma_start3A_41 = arith.constant 512 : i32
      %dma_start3A_42 = tpu.memref_slice %arg15[%dma_start3A_41] : memref<2000xi32, #tpu.memory_space<vmem>> -> memref<128xi32, #tpu.memory_space<vmem>>
      %dma_start3A_43 = arith.constant 512 : i32
      %dma_start3A_44 = tpu.memref_slice %arg13[%dma_start3A_43] : memref<2000xi32, #tpu.memory_space<vmem>> -> memref<128xi32, #tpu.memory_space<vmem>>
      %dma_start3A_45 = arith.constant 0 : i32
      %dma_start3A_46 = tpu.memref_slice %arg2[%dma_start3A_45] : memref<51200000xi32, #tpu.memory_space<hbm>> -> memref<51200000xi32, #tpu.memory_space<hbm>>
      tpu.enqueue_indirect_dma source(%dma_start3A_46 : memref<51200000xi32, #tpu.memory_space<hbm>>) target(%dma_start3A_42 : memref<128xi32, #tpu.memory_space<vmem>>) offsets(%dma_start3A_44 : memref<128xi32, #tpu.memory_space<vmem>>) semaphore(%arg22 : memref<!tpu.dma_semaphore, #tpu.memory_space<semaphore_mem>>)
      %dma_start3A_47 = arith.constant 640 : i32
      %dma_start3A_48 = tpu.memref_slice %arg15[%dma_start3A_47] : memref<2000xi32, #tpu.memory_space<vmem>> -> memref<128xi32, #tpu.memory_space<vmem>>
      %dma_start3A_49 = arith.constant 640 : i32
      %dma_start3A_50 = tpu.memref_slice %arg13[%dma_start3A_49] : memref<2000xi32, #tpu.memory_space<vmem>> -> memref<128xi32, #tpu.memory_space<vmem>>
      %dma_start3A_51 = arith.constant 0 : i32
      %dma_start3A_52 = tpu.memref_slice %arg2[%dma_start3A_51] : memref<51200000xi32, #tpu.memory_space<hbm>> -> memref<51200000xi32, #tpu.memory_space<hbm>>
      tpu.enqueue_indirect_dma source(%dma_start3A_52 : memref<51200000xi32, #tpu.memory_space<hbm>>) target(%dma_start3A_48 : memref<128xi32, #tpu.memory_space<vmem>>) offsets(%dma_start3A_50 : memref<128xi32, #tpu.memory_space<vmem>>) semaphore(%arg22 : memref<!tpu.dma_semaphore, #tpu.memory_space<semaphore_mem>>)
      %dma_start3A_53 = arith.constant 768 : i32
      %dma_start3A_54 = tpu.memref_slice %arg15[%dma_start3A_53] : memref<2000xi32, #tpu.memory_space<vmem>> -> memref<128xi32, #tpu.memory_space<vmem>>
      %dma_start3A_55 = arith.constant 768 : i32
      %dma_start3A_56 = tpu.memref_slice %arg13[%dma_start3A_55] : memref<2000xi32, #tpu.memory_space<vmem>> -> memref<128xi32, #tpu.memory_space<vmem>>
      %dma_start3A_57 = arith.constant 0 : i32
      %dma_start3A_58 = tpu.memref_slice %arg2[%dma_start3A_57] : memref<51200000xi32, #tpu.memory_space<hbm>> -> memref<51200000xi32, #tpu.memory_space<hbm>>
      tpu.enqueue_indirect_dma source(%dma_start3A_58 : memref<51200000xi32, #tpu.memory_space<hbm>>) target(%dma_start3A_54 : memref<128xi32, #tpu.memory_space<vmem>>) offsets(%dma_start3A_56 : memref<128xi32, #tpu.memory_space<vmem>>) semaphore(%arg22 : memref<!tpu.dma_semaphore, #tpu.memory_space<semaphore_mem>>)
      %dma_start3A_59 = arith.constant 896 : i32
      %dma_start3A_60 = tpu.memref_slice %arg15[%dma_start3A_59] : memref<2000xi32, #tpu.memory_space<vmem>> -> memref<128xi32, #tpu.memory_space<vmem>>
      %dma_start3A_61 = arith.constant 896 : i32
      %dma_start3A_62 = tpu.memref_slice %arg13[%dma_start3A_61] : memref<2000xi32, #tpu.memory_space<vmem>> -> memref<128xi32, #tpu.memory_space<vmem>>
      %dma_start3A_63 = arith.constant 0 : i32
      %dma_start3A_64 = tpu.memref_slice %arg2[%dma_start3A_63] : memref<51200000xi32, #tpu.memory_space<hbm>> -> memref<51200000xi32, #tpu.memory_space<hbm>>
      tpu.enqueue_indirect_dma source(%dma_start3A_64 : memref<51200000xi32, #tpu.memory_space<hbm>>) target(%dma_start3A_60 : memref<128xi32, #tpu.memory_space<vmem>>) offsets(%dma_start3A_62 : memref<128xi32, #tpu.memory_space<vmem>>) semaphore(%arg22 : memref<!tpu.dma_semaphore, #tpu.memory_space<semaphore_mem>>)
      %dma_start3A_65 = arith.constant 1024 : i32
      %dma_start3A_66 = tpu.memref_slice %arg15[%dma_start3A_65] : memref<2000xi32, #tpu.memory_space<vmem>> -> memref<128xi32, #tpu.memory_space<vmem>>
      %dma_start3A_67 = arith.constant 1024 : i32
      %dma_start3A_68 = tpu.memref_slice %arg13[%dma_start3A_67] : memref<2000xi32, #tpu.memory_space<vmem>> -> memref<128xi32, #tpu.memory_space<vmem>>
      %dma_start3A_69 = arith.constant 0 : i32
      %dma_start3A_70 = tpu.memref_slice %arg2[%dma_start3A_69] : memref<51200000xi32, #tpu.memory_space<hbm>> -> memref<51200000xi32, #tpu.memory_space<hbm>>
      tpu.enqueue_indirect_dma source(%dma_start3A_70 : memref<51200000xi32, #tpu.memory_space<hbm>>) target(%dma_start3A_66 : memref<128xi32, #tpu.memory_space<vmem>>) offsets(%dma_start3A_68 : memref<128xi32, #tpu.memory_space<vmem>>) semaphore(%arg22 : memref<!tpu.dma_semaphore, #tpu.memory_space<semaphore_mem>>)
      %dma_start3A_71 = arith.constant 1152 : i32
      %dma_start3A_72 = tpu.memref_slice %arg15[%dma_start3A_71] : memref<2000xi32, #tpu.memory_space<vmem>> -> memref<128xi32, #tpu.memory_space<vmem>>
      %dma_start3A_73 = arith.constant 1152 : i32
      %dma_start3A_74 = tpu.memref_slice %arg13[%dma_start3A_73] : memref<2000xi32, #tpu.memory_space<vmem>> -> memref<128xi32, #tpu.memory_space<vmem>>
      %dma_start3A_75 = arith.constant 0 : i32
      %dma_start3A_76 = tpu.memref_slice %arg2[%dma_start3A_75] : memref<51200000xi32, #tpu.memory_space<hbm>> -> memref<51200000xi32, #tpu.memory_space<hbm>>
      tpu.enqueue_indirect_dma source(%dma_start3A_76 : memref<51200000xi32, #tpu.memory_space<hbm>>) target(%dma_start3A_72 : memref<128xi32, #tpu.memory_space<vmem>>) offsets(%dma_start3A_74 : memref<128xi32, #tpu.memory_space<vmem>>) semaphore(%arg22 : memref<!tpu.dma_semaphore, #tpu.memory_space<semaphore_mem>>)
      %dma_start3A_77 = arith.constant 1280 : i32
      %dma_start3A_78 = tpu.memref_slice %arg15[%dma_start3A_77] : memref<2000xi32, #tpu.memory_space<vmem>> -> memref<128xi32, #tpu.memory_space<vmem>>
      %dma_start3A_79 = arith.constant 1280 : i32
      %dma_start3A_80 = tpu.memref_slice %arg13[%dma_start3A_79] : memref<2000xi32, #tpu.memory_space<vmem>> -> memref<128xi32, #tpu.memory_space<vmem>>
      %dma_start3A_81 = arith.constant 0 : i32
      %dma_start3A_82 = tpu.memref_slice %arg2[%dma_start3A_81] : memref<51200000xi32, #tpu.memory_space<hbm>> -> memref<51200000xi32, #tpu.memory_space<hbm>>
      tpu.enqueue_indirect_dma source(%dma_start3A_82 : memref<51200000xi32, #tpu.memory_space<hbm>>) target(%dma_start3A_78 : memref<128xi32, #tpu.memory_space<vmem>>) offsets(%dma_start3A_80 : memref<128xi32, #tpu.memory_space<vmem>>) semaphore(%arg22 : memref<!tpu.dma_semaphore, #tpu.memory_space<semaphore_mem>>)
      %dma_start3A_83 = arith.constant 1408 : i32
      %dma_start3A_84 = tpu.memref_slice %arg15[%dma_start3A_83] : memref<2000xi32, #tpu.memory_space<vmem>> -> memref<128xi32, #tpu.memory_space<vmem>>
      %dma_start3A_85 = arith.constant 1408 : i32
      %dma_start3A_86 = tpu.memref_slice %arg13[%dma_start3A_85] : memref<2000xi32, #tpu.memory_space<vmem>> -> memref<128xi32, #tpu.memory_space<vmem>>
      %dma_start3A_87 = arith.constant 0 : i32
      %dma_start3A_88 = tpu.memref_slice %arg2[%dma_start3A_87] : memref<51200000xi32, #tpu.memory_space<hbm>> -> memref<51200000xi32, #tpu.memory_space<hbm>>
      tpu.enqueue_indirect_dma source(%dma_start3A_88 : memref<51200000xi32, #tpu.memory_space<hbm>>) target(%dma_start3A_84 : memref<128xi32, #tpu.memory_space<vmem>>) offsets(%dma_start3A_86 : memref<128xi32, #tpu.memory_space<vmem>>) semaphore(%arg22 : memref<!tpu.dma_semaphore, #tpu.memory_space<semaphore_mem>>)
      %dma_start3A_89 = arith.constant 1536 : i32
      %dma_start3A_90 = tpu.memref_slice %arg15[%dma_start3A_89] : memref<2000xi32, #tpu.memory_space<vmem>> -> memref<128xi32, #tpu.memory_space<vmem>>
      %dma_start3A_91 = arith.constant 1536 : i32
      %dma_start3A_92 = tpu.memref_slice %arg13[%dma_start3A_91] : memref<2000xi32, #tpu.memory_space<vmem>> -> memref<128xi32, #tpu.memory_space<vmem>>
      %dma_start3A_93 = arith.constant 0 : i32
      %dma_start3A_94 = tpu.memref_slice %arg2[%dma_start3A_93] : memref<51200000xi32, #tpu.memory_space<hbm>> -> memref<51200000xi32, #tpu.memory_space<hbm>>
      tpu.enqueue_indirect_dma source(%dma_start3A_94 : memref<51200000xi32, #tpu.memory_space<hbm>>) target(%dma_start3A_90 : memref<128xi32, #tpu.memory_space<vmem>>) offsets(%dma_start3A_92 : memref<128xi32, #tpu.memory_space<vmem>>) semaphore(%arg22 : memref<!tpu.dma_semaphore, #tpu.memory_space<semaphore_mem>>)
      %dma_start3A_95 = arith.constant 1664 : i32
      %dma_start3A_96 = tpu.memref_slice %arg15[%dma_start3A_95] : memref<2000xi32, #tpu.memory_space<vmem>> -> memref<128xi32, #tpu.memory_space<vmem>>
      %dma_start3A_97 = arith.constant 1664 : i32
      %dma_start3A_98 = tpu.memref_slice %arg13[%dma_start3A_97] : memref<2000xi32, #tpu.memory_space<vmem>> -> memref<128xi32, #tpu.memory_space<vmem>>
      %dma_start3A_99 = arith.constant 0 : i32
      %dma_start3A_100 = tpu.memref_slice %arg2[%dma_start3A_99] : memref<51200000xi32, #tpu.memory_space<hbm>> -> memref<51200000xi32, #tpu.memory_space<hbm>>
      tpu.enqueue_indirect_dma source(%dma_start3A_100 : memref<51200000xi32, #tpu.memory_space<hbm>>) target(%dma_start3A_96 : memref<128xi32, #tpu.memory_space<vmem>>) offsets(%dma_start3A_98 : memref<128xi32, #tpu.memory_space<vmem>>) semaphore(%arg22 : memref<!tpu.dma_semaphore, #tpu.memory_space<semaphore_mem>>)
      %dma_start3A_101 = arith.constant 1792 : i32
      %dma_start3A_102 = tpu.memref_slice %arg15[%dma_start3A_101] : memref<2000xi32, #tpu.memory_space<vmem>> -> memref<128xi32, #tpu.memory_space<vmem>>
      %dma_start3A_103 = arith.constant 1792 : i32
      %dma_start3A_104 = tpu.memref_slice %arg13[%dma_start3A_103] : memref<2000xi32, #tpu.memory_space<vmem>> -> memref<128xi32, #tpu.memory_space<vmem>>
      %dma_start3A_105 = arith.constant 0 : i32
      %dma_start3A_106 = tpu.memref_slice %arg2[%dma_start3A_105] : memref<51200000xi32, #tpu.memory_space<hbm>> -> memref<51200000xi32, #tpu.memory_space<hbm>>
      tpu.enqueue_indirect_dma source(%dma_start3A_106 : memref<51200000xi32, #tpu.memory_space<hbm>>) target(%dma_start3A_102 : memref<128xi32, #tpu.memory_space<vmem>>) offsets(%dma_start3A_104 : memref<128xi32, #tpu.memory_space<vmem>>) semaphore(%arg22 : memref<!tpu.dma_semaphore, #tpu.memory_space<semaphore_mem>>)
      %dma_start3A_107 = arith.constant 1920 : i32
      %dma_start3A_108 = tpu.memref_slice %arg15[%dma_start3A_107] : memref<2000xi32, #tpu.memory_space<vmem>> -> memref<80xi32, #tpu.memory_space<vmem>>
      %dma_start3A_109 = arith.constant 1920 : i32
      %dma_start3A_110 = tpu.memref_slice %arg13[%dma_start3A_109] : memref<2000xi32, #tpu.memory_space<vmem>> -> memref<80xi32, #tpu.memory_space<vmem>>
      %dma_start3A_111 = arith.constant 0 : i32
      %dma_start3A_112 = tpu.memref_slice %arg2[%dma_start3A_111] : memref<51200000xi32, #tpu.memory_space<hbm>> -> memref<51200000xi32, #tpu.memory_space<hbm>>
      tpu.enqueue_indirect_dma source(%dma_start3A_112 : memref<51200000xi32, #tpu.memory_space<hbm>>) target(%dma_start3A_108 : memref<80xi32, #tpu.memory_space<vmem>>) offsets(%dma_start3A_110 : memref<80xi32, #tpu.memory_space<vmem>>) semaphore(%arg22 : memref<!tpu.dma_semaphore, #tpu.memory_space<semaphore_mem>>)
      %dma_wait3A = arith.constant 0 : i32
      %dma_wait3A_113 = tpu.memref_slice %arg15[%dma_wait3A] : memref<2000xi32, #tpu.memory_space<vmem>> -> memref<128xi32, #tpu.memory_space<vmem>>
      %dma_wait3A_114 = arith.constant 0 : i32
      %dma_wait3A_115 = tpu.memref_slice %arg13[%dma_wait3A_114] : memref<2000xi32, #tpu.memory_space<vmem>> -> memref<128xi32, #tpu.memory_space<vmem>>
      %dma_wait3A_116 = arith.constant 0 : i32
      %dma_wait3A_117 = tpu.memref_slice %arg2[%dma_wait3A_116] : memref<51200000xi32, #tpu.memory_space<hbm>> -> memref<51200000xi32, #tpu.memory_space<hbm>>
      tpu.wait_indirect_dma semaphore(%arg22 : memref<!tpu.dma_semaphore, #tpu.memory_space<semaphore_mem>>) src(%dma_wait3A_117 : memref<51200000xi32, #tpu.memory_space<hbm>>) dst(%dma_wait3A_113 : memref<128xi32, #tpu.memory_space<vmem>>)
      %dma_wait3A_118 = arith.constant 128 : i32
      %dma_wait3A_119 = tpu.memref_slice %arg15[%dma_wait3A_118] : memref<2000xi32, #tpu.memory_space<vmem>> -> memref<128xi32, #tpu.memory_space<vmem>>
      %dma_wait3A_120 = arith.constant 128 : i32
      %dma_wait3A_121 = tpu.memref_slice %arg13[%dma_wait3A_120] : memref<2000xi32, #tpu.memory_space<vmem>> -> memref<128xi32, #tpu.memory_space<vmem>>
      %dma_wait3A_122 = arith.constant 0 : i32
      %dma_wait3A_123 = tpu.memref_slice %arg2[%dma_wait3A_122] : memref<51200000xi32, #tpu.memory_space<hbm>> -> memref<51200000xi32, #tpu.memory_space<hbm>>
      tpu.wait_indirect_dma semaphore(%arg22 : memref<!tpu.dma_semaphore, #tpu.memory_space<semaphore_mem>>) src(%dma_wait3A_123 : memref<51200000xi32, #tpu.memory_space<hbm>>) dst(%dma_wait3A_119 : memref<128xi32, #tpu.memory_space<vmem>>)
      %dma_wait3A_124 = arith.constant 256 : i32
      %dma_wait3A_125 = tpu.memref_slice %arg15[%dma_wait3A_124] : memref<2000xi32, #tpu.memory_space<vmem>> -> memref<128xi32, #tpu.memory_space<vmem>>
      %dma_wait3A_126 = arith.constant 256 : i32
      %dma_wait3A_127 = tpu.memref_slice %arg13[%dma_wait3A_126] : memref<2000xi32, #tpu.memory_space<vmem>> -> memref<128xi32, #tpu.memory_space<vmem>>
      %dma_wait3A_128 = arith.constant 0 : i32
      %dma_wait3A_129 = tpu.memref_slice %arg2[%dma_wait3A_128] : memref<51200000xi32, #tpu.memory_space<hbm>> -> memref<51200000xi32, #tpu.memory_space<hbm>>
      tpu.wait_indirect_dma semaphore(%arg22 : memref<!tpu.dma_semaphore, #tpu.memory_space<semaphore_mem>>) src(%dma_wait3A_129 : memref<51200000xi32, #tpu.memory_space<hbm>>) dst(%dma_wait3A_125 : memref<128xi32, #tpu.memory_space<vmem>>)
      %dma_wait3A_130 = arith.constant 384 : i32
      %dma_wait3A_131 = tpu.memref_slice %arg15[%dma_wait3A_130] : memref<2000xi32, #tpu.memory_space<vmem>> -> memref<128xi32, #tpu.memory_space<vmem>>
      %dma_wait3A_132 = arith.constant 384 : i32
      %dma_wait3A_133 = tpu.memref_slice %arg13[%dma_wait3A_132] : memref<2000xi32, #tpu.memory_space<vmem>> -> memref<128xi32, #tpu.memory_space<vmem>>
      %dma_wait3A_134 = arith.constant 0 : i32
      %dma_wait3A_135 = tpu.memref_slice %arg2[%dma_wait3A_134] : memref<51200000xi32, #tpu.memory_space<hbm>> -> memref<51200000xi32, #tpu.memory_space<hbm>>
      tpu.wait_indirect_dma semaphore(%arg22 : memref<!tpu.dma_semaphore, #tpu.memory_space<semaphore_mem>>) src(%dma_wait3A_135 : memref<51200000xi32, #tpu.memory_space<hbm>>) dst(%dma_wait3A_131 : memref<128xi32, #tpu.memory_space<vmem>>)
      %dma_wait3A_136 = arith.constant 512 : i32
      %dma_wait3A_137 = tpu.memref_slice %arg15[%dma_wait3A_136] : memref<2000xi32, #tpu.memory_space<vmem>> -> memref<128xi32, #tpu.memory_space<vmem>>
      %dma_wait3A_138 = arith.constant 512 : i32
      %dma_wait3A_139 = tpu.memref_slice %arg13[%dma_wait3A_138] : memref<2000xi32, #tpu.memory_space<vmem>> -> memref<128xi32, #tpu.memory_space<vmem>>
      %dma_wait3A_140 = arith.constant 0 : i32
      %dma_wait3A_141 = tpu.memref_slice %arg2[%dma_wait3A_140] : memref<51200000xi32, #tpu.memory_space<hbm>> -> memref<51200000xi32, #tpu.memory_space<hbm>>
      tpu.wait_indirect_dma semaphore(%arg22 : memref<!tpu.dma_semaphore, #tpu.memory_space<semaphore_mem>>) src(%dma_wait3A_141 : memref<51200000xi32, #tpu.memory_space<hbm>>) dst(%dma_wait3A_137 : memref<128xi32, #tpu.memory_space<vmem>>)
      %dma_wait3A_142 = arith.constant 640 : i32
      %dma_wait3A_143 = tpu.memref_slice %arg15[%dma_wait3A_142] : memref<2000xi32, #tpu.memory_space<vmem>> -> memref<128xi32, #tpu.memory_space<vmem>>
      %dma_wait3A_144 = arith.constant 640 : i32
      %dma_wait3A_145 = tpu.memref_slice %arg13[%dma_wait3A_144] : memref<2000xi32, #tpu.memory_space<vmem>> -> memref<128xi32, #tpu.memory_space<vmem>>
      %dma_wait3A_146 = arith.constant 0 : i32
      %dma_wait3A_147 = tpu.memref_slice %arg2[%dma_wait3A_146] : memref<51200000xi32, #tpu.memory_space<hbm>> -> memref<51200000xi32, #tpu.memory_space<hbm>>
      tpu.wait_indirect_dma semaphore(%arg22 : memref<!tpu.dma_semaphore, #tpu.memory_space<semaphore_mem>>) src(%dma_wait3A_147 : memref<51200000xi32, #tpu.memory_space<hbm>>) dst(%dma_wait3A_143 : memref<128xi32, #tpu.memory_space<vmem>>)
      %dma_wait3A_148 = arith.constant 768 : i32
      %dma_wait3A_149 = tpu.memref_slice %arg15[%dma_wait3A_148] : memref<2000xi32, #tpu.memory_space<vmem>> -> memref<128xi32, #tpu.memory_space<vmem>>
      %dma_wait3A_150 = arith.constant 768 : i32
      %dma_wait3A_151 = tpu.memref_slice %arg13[%dma_wait3A_150] : memref<2000xi32, #tpu.memory_space<vmem>> -> memref<128xi32, #tpu.memory_space<vmem>>
      %dma_wait3A_152 = arith.constant 0 : i32
      %dma_wait3A_153 = tpu.memref_slice %arg2[%dma_wait3A_152] : memref<51200000xi32, #tpu.memory_space<hbm>> -> memref<51200000xi32, #tpu.memory_space<hbm>>
      tpu.wait_indirect_dma semaphore(%arg22 : memref<!tpu.dma_semaphore, #tpu.memory_space<semaphore_mem>>) src(%dma_wait3A_153 : memref<51200000xi32, #tpu.memory_space<hbm>>) dst(%dma_wait3A_149 : memref<128xi32, #tpu.memory_space<vmem>>)
      %dma_wait3A_154 = arith.constant 896 : i32
      %dma_wait3A_155 = tpu.memref_slice %arg15[%dma_wait3A_154] : memref<2000xi32, #tpu.memory_space<vmem>> -> memref<128xi32, #tpu.memory_space<vmem>>
      %dma_wait3A_156 = arith.constant 896 : i32
      %dma_wait3A_157 = tpu.memref_slice %arg13[%dma_wait3A_156] : memref<2000xi32, #tpu.memory_space<vmem>> -> memref<128xi32, #tpu.memory_space<vmem>>
      %dma_wait3A_158 = arith.constant 0 : i32
      %dma_wait3A_159 = tpu.memref_slice %arg2[%dma_wait3A_158] : memref<51200000xi32, #tpu.memory_space<hbm>> -> memref<51200000xi32, #tpu.memory_space<hbm>>
      tpu.wait_indirect_dma semaphore(%arg22 : memref<!tpu.dma_semaphore, #tpu.memory_space<semaphore_mem>>) src(%dma_wait3A_159 : memref<51200000xi32, #tpu.memory_space<hbm>>) dst(%dma_wait3A_155 : memref<128xi32, #tpu.memory_space<vmem>>)
      %dma_wait3A_160 = arith.constant 1024 : i32
      %dma_wait3A_161 = tpu.memref_slice %arg15[%dma_wait3A_160] : memref<2000xi32, #tpu.memory_space<vmem>> -> memref<128xi32, #tpu.memory_space<vmem>>
      %dma_wait3A_162 = arith.constant 1024 : i32
      %dma_wait3A_163 = tpu.memref_slice %arg13[%dma_wait3A_162] : memref<2000xi32, #tpu.memory_space<vmem>> -> memref<128xi32, #tpu.memory_space<vmem>>
      %dma_wait3A_164 = arith.constant 0 : i32
      %dma_wait3A_165 = tpu.memref_slice %arg2[%dma_wait3A_164] : memref<51200000xi32, #tpu.memory_space<hbm>> -> memref<51200000xi32, #tpu.memory_space<hbm>>
      tpu.wait_indirect_dma semaphore(%arg22 : memref<!tpu.dma_semaphore, #tpu.memory_space<semaphore_mem>>) src(%dma_wait3A_165 : memref<51200000xi32, #tpu.memory_space<hbm>>) dst(%dma_wait3A_161 : memref<128xi32, #tpu.memory_space<vmem>>)
      %dma_wait3A_166 = arith.constant 1152 : i32
      %dma_wait3A_167 = tpu.memref_slice %arg15[%dma_wait3A_166] : memref<2000xi32, #tpu.memory_space<vmem>> -> memref<128xi32, #tpu.memory_space<vmem>>
      %dma_wait3A_168 = arith.constant 1152 : i32
      %dma_wait3A_169 = tpu.memref_slice %arg13[%dma_wait3A_168] : memref<2000xi32, #tpu.memory_space<vmem>> -> memref<128xi32, #tpu.memory_space<vmem>>
      %dma_wait3A_170 = arith.constant 0 : i32
      %dma_wait3A_171 = tpu.memref_slice %arg2[%dma_wait3A_170] : memref<51200000xi32, #tpu.memory_space<hbm>> -> memref<51200000xi32, #tpu.memory_space<hbm>>
      tpu.wait_indirect_dma semaphore(%arg22 : memref<!tpu.dma_semaphore, #tpu.memory_space<semaphore_mem>>) src(%dma_wait3A_171 : memref<51200000xi32, #tpu.memory_space<hbm>>) dst(%dma_wait3A_167 : memref<128xi32, #tpu.memory_space<vmem>>)
      %dma_wait3A_172 = arith.constant 1280 : i32
      %dma_wait3A_173 = tpu.memref_slice %arg15[%dma_wait3A_172] : memref<2000xi32, #tpu.memory_space<vmem>> -> memref<128xi32, #tpu.memory_space<vmem>>
      %dma_wait3A_174 = arith.constant 1280 : i32
      %dma_wait3A_175 = tpu.memref_slice %arg13[%dma_wait3A_174] : memref<2000xi32, #tpu.memory_space<vmem>> -> memref<128xi32, #tpu.memory_space<vmem>>
      %dma_wait3A_176 = arith.constant 0 : i32
      %dma_wait3A_177 = tpu.memref_slice %arg2[%dma_wait3A_176] : memref<51200000xi32, #tpu.memory_space<hbm>> -> memref<51200000xi32, #tpu.memory_space<hbm>>
      tpu.wait_indirect_dma semaphore(%arg22 : memref<!tpu.dma_semaphore, #tpu.memory_space<semaphore_mem>>) src(%dma_wait3A_177 : memref<51200000xi32, #tpu.memory_space<hbm>>) dst(%dma_wait3A_173 : memref<128xi32, #tpu.memory_space<vmem>>)
      %dma_wait3A_178 = arith.constant 1408 : i32
      %dma_wait3A_179 = tpu.memref_slice %arg15[%dma_wait3A_178] : memref<2000xi32, #tpu.memory_space<vmem>> -> memref<128xi32, #tpu.memory_space<vmem>>
      %dma_wait3A_180 = arith.constant 1408 : i32
      %dma_wait3A_181 = tpu.memref_slice %arg13[%dma_wait3A_180] : memref<2000xi32, #tpu.memory_space<vmem>> -> memref<128xi32, #tpu.memory_space<vmem>>
      %dma_wait3A_182 = arith.constant 0 : i32
      %dma_wait3A_183 = tpu.memref_slice %arg2[%dma_wait3A_182] : memref<51200000xi32, #tpu.memory_space<hbm>> -> memref<51200000xi32, #tpu.memory_space<hbm>>
      tpu.wait_indirect_dma semaphore(%arg22 : memref<!tpu.dma_semaphore, #tpu.memory_space<semaphore_mem>>) src(%dma_wait3A_183 : memref<51200000xi32, #tpu.memory_space<hbm>>) dst(%dma_wait3A_179 : memref<128xi32, #tpu.memory_space<vmem>>)
      %dma_wait3A_184 = arith.constant 1536 : i32
      %dma_wait3A_185 = tpu.memref_slice %arg15[%dma_wait3A_184] : memref<2000xi32, #tpu.memory_space<vmem>> -> memref<128xi32, #tpu.memory_space<vmem>>
      %dma_wait3A_186 = arith.constant 1536 : i32
      %dma_wait3A_187 = tpu.memref_slice %arg13[%dma_wait3A_186] : memref<2000xi32, #tpu.memory_space<vmem>> -> memref<128xi32, #tpu.memory_space<vmem>>
      %dma_wait3A_188 = arith.constant 0 : i32
      %dma_wait3A_189 = tpu.memref_slice %arg2[%dma_wait3A_188] : memref<51200000xi32, #tpu.memory_space<hbm>> -> memref<51200000xi32, #tpu.memory_space<hbm>>
      tpu.wait_indirect_dma semaphore(%arg22 : memref<!tpu.dma_semaphore, #tpu.memory_space<semaphore_mem>>) src(%dma_wait3A_189 : memref<51200000xi32, #tpu.memory_space<hbm>>) dst(%dma_wait3A_185 : memref<128xi32, #tpu.memory_space<vmem>>)
      %dma_wait3A_190 = arith.constant 1664 : i32
      %dma_wait3A_191 = tpu.memref_slice %arg15[%dma_wait3A_190] : memref<2000xi32, #tpu.memory_space<vmem>> -> memref<128xi32, #tpu.memory_space<vmem>>
      %dma_wait3A_192 = arith.constant 1664 : i32
      %dma_wait3A_193 = tpu.memref_slice %arg13[%dma_wait3A_192] : memref<2000xi32, #tpu.memory_space<vmem>> -> memref<128xi32, #tpu.memory_space<vmem>>
      %dma_wait3A_194 = arith.constant 0 : i32
      %dma_wait3A_195 = tpu.memref_slice %arg2[%dma_wait3A_194] : memref<51200000xi32, #tpu.memory_space<hbm>> -> memref<51200000xi32, #tpu.memory_space<hbm>>
      tpu.wait_indirect_dma semaphore(%arg22 : memref<!tpu.dma_semaphore, #tpu.memory_space<semaphore_mem>>) src(%dma_wait3A_195 : memref<51200000xi32, #tpu.memory_space<hbm>>) dst(%dma_wait3A_191 : memref<128xi32, #tpu.memory_space<vmem>>)
      %dma_wait3A_196 = arith.constant 1792 : i32
      %dma_wait3A_197 = tpu.memref_slice %arg15[%dma_wait3A_196] : memref<2000xi32, #tpu.memory_space<vmem>> -> memref<128xi32, #tpu.memory_space<vmem>>
      %dma_wait3A_198 = arith.constant 1792 : i32
      %dma_wait3A_199 = tpu.memref_slice %arg13[%dma_wait3A_198] : memref<2000xi32, #tpu.memory_space<vmem>> -> memref<128xi32, #tpu.memory_space<vmem>>
      %dma_wait3A_200 = arith.constant 0 : i32
      %dma_wait3A_201 = tpu.memref_slice %arg2[%dma_wait3A_200] : memref<51200000xi32, #tpu.memory_space<hbm>> -> memref<51200000xi32, #tpu.memory_space<hbm>>
      tpu.wait_indirect_dma semaphore(%arg22 : memref<!tpu.dma_semaphore, #tpu.memory_space<semaphore_mem>>) src(%dma_wait3A_201 : memref<51200000xi32, #tpu.memory_space<hbm>>) dst(%dma_wait3A_197 : memref<128xi32, #tpu.memory_space<vmem>>)
      %dma_wait3A_202 = arith.constant 1920 : i32
      %dma_wait3A_203 = tpu.memref_slice %arg15[%dma_wait3A_202] : memref<2000xi32, #tpu.memory_space<vmem>> -> memref<80xi32, #tpu.memory_space<vmem>>
      %dma_wait3A_204 = arith.constant 1920 : i32
      %dma_wait3A_205 = tpu.memref_slice %arg13[%dma_wait3A_204] : memref<2000xi32, #tpu.memory_space<vmem>> -> memref<80xi32, #tpu.memory_space<vmem>>
      %dma_wait3A_206 = arith.constant 0 : i32
      %dma_wait3A_207 = tpu.memref_slice %arg2[%dma_wait3A_206] : memref<51200000xi32, #tpu.memory_space<hbm>> -> memref<51200000xi32, #tpu.memory_space<hbm>>
      tpu.wait_indirect_dma semaphore(%arg22 : memref<!tpu.dma_semaphore, #tpu.memory_space<semaphore_mem>>) src(%dma_wait3A_207 : memref<51200000xi32, #tpu.memory_space<hbm>>) dst(%dma_wait3A_203 : memref<80xi32, #tpu.memory_space<vmem>>)
      %scan3A_208 = arith.constant 0 : i32
      %scan3A_209 = arith.constant 0 : i32
      %scan3A_210 = arith.constant 125 : i32
      %scan3A_211 = arith.addi %scan3A_209, %scan3A_210 : i32
      %scan3A_212 = arith.constant 1 : i32
      scf.for %scan3A_214 = %scan3A_209 to %scan3A_211 step %scan3A_212  : i32 {
        %mul3A_215 = arith.constant 16 : i32
        %mul3A_216 = arith.muli %scan3A_214, %mul3A_215 : i32
        %get3A = arith.index_cast %mul3A_216 : i32 to index
        %get3A_217 = tpu.vector_load %arg15[%get3A] {strides = array<i32>} : memref<2000xi32, #tpu.memory_space<vmem>>, vector<16xi32>,
        %get3A_218 = arith.index_cast %mul3A_216 : i32 to index
        %get3A_219 = tpu.vector_load %arg14[%get3A_218] {strides = array<i32>} : memref<2000xi32, #tpu.memory_space<vmem>>, vector<16xi32>,
        %shift_right_logical3A = arith.shrui %get3A_217, %get3A_219 : vector<16xi32>
        %shift_left3A = arith.constant 16 : i32
        %shift_left3A_220 = vector.broadcast %shift_left3A : i32 to vector<16xi32>
        %shift_left3A_221 = arith.shli %shift_right_logical3A, %shift_left3A_220 : vector<16xi32>
        %bitcast3A = vector.bitcast %shift_left3A_221 : vector<16xi32> to vector<16xf32>
        %get3A_222 = arith.index_cast %mul3A_216 : i32 to index
        %get3A_223 = tpu.vector_load %arg19[%get3A_222] {strides = array<i32>} : memref<2000xf32, #tpu.memory_space<vmem>>, vector<16xf32>,
        %mul3A_224 = arith.constant 2.000000e+00 : f32
        %mul3A_225 = vector.broadcast %mul3A_224 : f32 to vector<16xf32>
        %mul3A_226 = arith.mulf %mul3A_225, %bitcast3A : vector<16xf32>
        %sub3A = arith.subf %get3A_223, %mul3A_226 : vector<16xf32>
        %max3A = arith.constant 0.000000e+00 : f32
        %max3A_227 = vector.broadcast %max3A : f32 to vector<16xf32>
        %max3A_228 = arith.maximumf %sub3A, %max3A_227 : vector<16xf32>
        %swap3A = arith.index_cast %mul3A_216 : i32 to index
        %swap3A_229 = tpu.vector_load %arg19[%swap3A] {strides = array<i32>} : memref<2000xf32, #tpu.memory_space<vmem>>, vector<16xf32>,
        tpu.vector_store %arg19[%swap3A], %max3A_228 {strides = array<i32>} : memref<2000xf32, #tpu.memory_space<vmem>>, vector<16xf32>,
      }
      %scan3A_213 = arith.constant 125 : i32
      "tpu.region"() ({
        %run_scoped3A = tpu.sem_alloc : memref<!tpu.dma_semaphore, #tpu.memory_space<semaphore_mem>>
        %dma_start3A_214 = tpu.memref_slice %arg8[%add3A_11] : memref<320000xf32, #tpu.memory_space<hbm>> -> memref<2000xf32, #tpu.memory_space<hbm>>
        %dma_start3A_215 = tpu.memref_slice %arg8[%add3A_11] : memref<320000xf32, #tpu.memory_space<hbm>> -> memref<2000xf32, #tpu.memory_space<hbm>>
        tpu.enqueue_dma source(%arg19 : memref<2000xf32, #tpu.memory_space<vmem>>) target(%dma_start3A_215 : memref<2000xf32, #tpu.memory_space<hbm>>) target_semaphore(%run_scoped3A : memref<!tpu.dma_semaphore, #tpu.memory_space<semaphore_mem>>)
        %dma_wait3A_216 = tpu.memref_slice %arg8[%add3A_11] : memref<320000xf32, #tpu.memory_space<hbm>> -> memref<2000xf32, #tpu.memory_space<hbm>>
        %dma_wait3A_217 = tpu.memref_slice %arg8[%add3A_11] : memref<320000xf32, #tpu.memory_space<hbm>> -> memref<2000xf32, #tpu.memory_space<hbm>>
        tpu.wait_dma2 semaphore(%run_scoped3A : memref<!tpu.dma_semaphore, #tpu.memory_space<semaphore_mem>>) src(%arg19 : memref<2000xf32, #tpu.memory_space<vmem>>) dst(%dma_wait3A_217 : memref<2000xf32, #tpu.memory_space<hbm>>)
        tpu.yield
      }) : () -> ()
      "tpu.region"() ({
        %run_scoped3A = tpu.sem_alloc : memref<!tpu.dma_semaphore, #tpu.memory_space<semaphore_mem>>
        %dma_start3A_214 = tpu.memref_slice %arg9[%add3A_11] : memref<320000xf32, #tpu.memory_space<hbm>> -> memref<2000xf32, #tpu.memory_space<hbm>>
        %dma_start3A_215 = tpu.memref_slice %arg9[%add3A_11] : memref<320000xf32, #tpu.memory_space<hbm>> -> memref<2000xf32, #tpu.memory_space<hbm>>
        tpu.enqueue_dma source(%arg20 : memref<2000xf32, #tpu.memory_space<vmem>>) target(%dma_start3A_215 : memref<2000xf32, #tpu.memory_space<hbm>>) target_semaphore(%run_scoped3A : memref<!tpu.dma_semaphore, #tpu.memory_space<semaphore_mem>>)
        %dma_wait3A_216 = tpu.memref_slice %arg9[%add3A_11] : memref<320000xf32, #tpu.memory_space<hbm>> -> memref<2000xf32, #tpu.memory_space<hbm>>
        %dma_wait3A_217 = tpu.memref_slice %arg9[%add3A_11] : memref<320000xf32, #tpu.memory_space<hbm>> -> memref<2000xf32, #tpu.memory_space<hbm>>
        tpu.wait_dma2 semaphore(%run_scoped3A : memref<!tpu.dma_semaphore, #tpu.memory_space<semaphore_mem>>) src(%arg20 : memref<2000xf32, #tpu.memory_space<vmem>>) dst(%dma_wait3A_217 : memref<2000xf32, #tpu.memory_space<hbm>>)
        tpu.yield
      }) : () -> ()
      "tpu.region"() ({
        %run_scoped3A = tpu.sem_alloc : memref<!tpu.dma_semaphore, #tpu.memory_space<semaphore_mem>>
        %dma_start3A_214 = tpu.memref_slice %arg10[%add3A_11] : memref<320000xf32, #tpu.memory_space<hbm>> -> memref<2000xf32, #tpu.memory_space<hbm>>
        %dma_start3A_215 = tpu.memref_slice %arg10[%add3A_11] : memref<320000xf32, #tpu.memory_space<hbm>> -> memref<2000xf32, #tpu.memory_space<hbm>>
        tpu.enqueue_dma source(%arg21 : memref<2000xf32, #tpu.memory_space<vmem>>) target(%dma_start3A_215 : memref<2000xf32, #tpu.memory_space<hbm>>) target_semaphore(%run_scoped3A : memref<!tpu.dma_semaphore, #tpu.memory_space<semaphore_mem>>)
        %dma_wait3A_216 = tpu.memref_slice %arg10[%add3A_11] : memref<320000xf32, #tpu.memory_space<hbm>> -> memref<2000xf32, #tpu.memory_space<hbm>>
        %dma_wait3A_217 = tpu.memref_slice %arg10[%add3A_11] : memref<320000xf32, #tpu.memory_space<hbm>> -> memref<2000xf32, #tpu.memory_space<hbm>>
        tpu.wait_dma2 semaphore(%run_scoped3A : memref<!tpu.dma_semaphore, #tpu.memory_space<semaphore_mem>>) src(%arg21 : memref<2000xf32, #tpu.memory_space<vmem>>) dst(%dma_wait3A_217 : memref<2000xf32, #tpu.memory_space<hbm>>)
        tpu.yield
      }) : () -> ()
    }
    %scan3A_5 = arith.constant 5 : i32
    return
  }
}

module attributes {stable_mosaic.version = 14 : i64} {
  func.func @_gram_body(%arg0: i32, %arg1: i32, %arg2: memref<1000x128xf32, #tpu.memory_space<vmem>>, %arg3: memref<2048x128xf32, #tpu.memory_space<vmem>>, %arg4: memref<1000x8x128xi32, #tpu.memory_space<vmem>>) attributes {dimension_semantics = [#tpu.dimension_semantics<arbitrary>, #tpu.dimension_semantics<arbitrary>], iteration_bounds = array<i64: 10, 5>, scalar_prefetch = 0 : i64, scratch_operands = 0 : i64, tpu.core_type = #tpu.core_type<tc>, window_params = [{transform_indices = @transform_0, window_bounds = array<i64: 1000, 128>}, {transform_indices = @transform_1, window_bounds = array<i64: 2048, 128>}, {transform_indices = @transform_2, window_bounds = array<i64: 1000, 8, 128>}]} {
    %mul3A = arith.constant 2048 : i32
    %mul3A_0 = arith.muli %arg1, %mul3A : i32
    %add3A = arith.constant 2048 : i32
    %add3A_1 = arith.addi %mul3A_0, %add3A : i32
    %mul3A_2 = arith.constant 1000 : i32
    %mul3A_3 = arith.muli %arg0, %mul3A_2 : i32
    %gt3A = arith.cmpi sgt, %add3A_1, %mul3A_3 : i32
    %convert_element_type3A = arith.extui %gt3A : i1 to i32
    %cond3A = arith.constant 0 : i32
    %cond3A_4 = arith.cmpi ne, %convert_element_type3A, %cond3A : i32
    scf.if %cond3A_4 {
      %get3A = arith.constant 0 : index
      %get3A_5 = arith.constant 0 : index
      %get3A_6 = vector.load %arg2[%get3A, %get3A_5] : memref<1000x128xf32, #tpu.memory_space<vmem>>, vector<1000x128xf32>
      %get3A_7 = arith.constant 0 : index
      %get3A_8 = arith.constant 0 : index
      %get3A_9 = vector.load %arg3[%get3A_7, %get3A_8] : memref<2048x128xf32, #tpu.memory_space<vmem>>, vector<2048x128xf32>
      %dot_general3A = arith.constant dense<0.000000e+00> : vector<1000x2048xf32>
      %dot_general3A_10 = tpu.matmul %get3A_6, %get3A_9, %dot_general3A {dimension_numbers = #tpu.dot_dimension_numbers<[1], [1], [0], [0], [0, 0, 1, 0], [], []>, transpose_lhs_hint = false} : vector<1000x128xf32>, vector<2048x128xf32>, vector<1000x2048xf32> -> vector<1000x2048xf32>
      %slice3A = vector.extract_strided_slice %dot_general3A_10 {offsets = [0, 0], sizes = [1000, 1024], strides = [1, 1]} : vector<1000x2048xf32> to vector<1000x1024xf32>
      %bitcast_convert_type3A = tpu.bitcast %slice3A : vector<1000x1024xf32> -> vector<1000x1024xi32>
      %slice3A_11 = vector.extract_strided_slice %dot_general3A_10 {offsets = [0, 1024], sizes = [1000, 1024], strides = [1, 1]} : vector<1000x2048xf32> to vector<1000x1024xf32>
      %bitcast_convert_type3A_12 = tpu.bitcast %slice3A_11 : vector<1000x1024xf32> -> vector<1000x1024xi32>
      %add3A_13 = arith.constant 32768 : i32
      %add3A_14 = vector.broadcast %add3A_13 : i32 to vector<1000x1024xi32>
      %add3A_15 = arith.addi %bitcast_convert_type3A, %add3A_14 : vector<1000x1024xi32>
      %shift_right_logical3A = arith.constant 16 : i32
      %shift_right_logical3A_16 = vector.broadcast %shift_right_logical3A : i32 to vector<1000x1024xi32>
      %shift_right_logical3A_17 = arith.shrui %add3A_15, %shift_right_logical3A_16 : vector<1000x1024xi32>
      %add3A_18 = arith.constant 32768 : i32
      %add3A_19 = vector.broadcast %add3A_18 : i32 to vector<1000x1024xi32>
      %add3A_20 = arith.addi %bitcast_convert_type3A_12, %add3A_19 : vector<1000x1024xi32>
      %and3A = arith.constant -65536 : i32
      %and3A_21 = vector.broadcast %and3A : i32 to vector<1000x1024xi32>
      %and3A_22 = arith.andi %add3A_20, %and3A_21 : vector<1000x1024xi32>
      %or3A = arith.ori %shift_right_logical3A_17, %and3A_22 : vector<1000x1024xi32>
      %slice3A_23 = vector.extract_strided_slice %or3A {offsets = [0, 0], sizes = [1000, 128], strides = [1, 1]} : vector<1000x1024xi32> to vector<1000x128xi32>
      %swap3A = arith.constant 0 : index
      %swap3A_24 = arith.constant 0 : index
      %swap3A_25 = arith.constant 0 : index
      %swap3A_26 = vector.load %arg4[%swap3A, %swap3A_24, %swap3A_25] : memref<1000x8x128xi32, #tpu.memory_space<vmem>>, vector<1000x1x128xi32>
      %swap3A_27 = vector.shape_cast %swap3A_26 : vector<1000x1x128xi32> to vector<1000x128xi32>
      %swap3A_28 = vector.shape_cast %slice3A_23 : vector<1000x128xi32> to vector<1000x1x128xi32>
      tpu.vector_store %arg4[%swap3A, %swap3A_24, %swap3A_25], %swap3A_28 {strides = array<i32>} : memref<1000x8x128xi32, #tpu.memory_space<vmem>>, vector<1000x1x128xi32>,
      %slice3A_29 = vector.extract_strided_slice %or3A {offsets = [0, 128], sizes = [1000, 128], strides = [1, 1]} : vector<1000x1024xi32> to vector<1000x128xi32>
      %swap3A_30 = arith.constant 0 : index
      %swap3A_31 = arith.constant 1 : index
      %swap3A_32 = arith.constant 0 : index
      %swap3A_33 = vector.load %arg4[%swap3A_30, %swap3A_31, %swap3A_32] : memref<1000x8x128xi32, #tpu.memory_space<vmem>>, vector<1000x1x128xi32>
      %swap3A_34 = vector.shape_cast %swap3A_33 : vector<1000x1x128xi32> to vector<1000x128xi32>
      %swap3A_35 = vector.shape_cast %slice3A_29 : vector<1000x128xi32> to vector<1000x1x128xi32>
      tpu.vector_store %arg4[%swap3A_30, %swap3A_31, %swap3A_32], %swap3A_35 {strides = array<i32>} : memref<1000x8x128xi32, #tpu.memory_space<vmem>>, vector<1000x1x128xi32>,
      %slice3A_36 = vector.extract_strided_slice %or3A {offsets = [0, 256], sizes = [1000, 128], strides = [1, 1]} : vector<1000x1024xi32> to vector<1000x128xi32>
      %swap3A_37 = arith.constant 0 : index
      %swap3A_38 = arith.constant 2 : index
      %swap3A_39 = arith.constant 0 : index
      %swap3A_40 = vector.load %arg4[%swap3A_37, %swap3A_38, %swap3A_39] : memref<1000x8x128xi32, #tpu.memory_space<vmem>>, vector<1000x1x128xi32>
      %swap3A_41 = vector.shape_cast %swap3A_40 : vector<1000x1x128xi32> to vector<1000x128xi32>
      %swap3A_42 = vector.shape_cast %slice3A_36 : vector<1000x128xi32> to vector<1000x1x128xi32>
      tpu.vector_store %arg4[%swap3A_37, %swap3A_38, %swap3A_39], %swap3A_42 {strides = array<i32>} : memref<1000x8x128xi32, #tpu.memory_space<vmem>>, vector<1000x1x128xi32>,
      %slice3A_43 = vector.extract_strided_slice %or3A {offsets = [0, 384], sizes = [1000, 128], strides = [1, 1]} : vector<1000x1024xi32> to vector<1000x128xi32>
      %swap3A_44 = arith.constant 0 : index
      %swap3A_45 = arith.constant 3 : index
      %swap3A_46 = arith.constant 0 : index
      %swap3A_47 = vector.load %arg4[%swap3A_44, %swap3A_45, %swap3A_46] : memref<1000x8x128xi32, #tpu.memory_space<vmem>>, vector<1000x1x128xi32>
      %swap3A_48 = vector.shape_cast %swap3A_47 : vector<1000x1x128xi32> to vector<1000x128xi32>
      %swap3A_49 = vector.shape_cast %slice3A_43 : vector<1000x128xi32> to vector<1000x1x128xi32>
      tpu.vector_store %arg4[%swap3A_44, %swap3A_45, %swap3A_46], %swap3A_49 {strides = array<i32>} : memref<1000x8x128xi32, #tpu.memory_space<vmem>>, vector<1000x1x128xi32>,
      %slice3A_50 = vector.extract_strided_slice %or3A {offsets = [0, 512], sizes = [1000, 128], strides = [1, 1]} : vector<1000x1024xi32> to vector<1000x128xi32>
      %swap3A_51 = arith.constant 0 : index
      %swap3A_52 = arith.constant 4 : index
      %swap3A_53 = arith.constant 0 : index
      %swap3A_54 = vector.load %arg4[%swap3A_51, %swap3A_52, %swap3A_53] : memref<1000x8x128xi32, #tpu.memory_space<vmem>>, vector<1000x1x128xi32>
      %swap3A_55 = vector.shape_cast %swap3A_54 : vector<1000x1x128xi32> to vector<1000x128xi32>
      %swap3A_56 = vector.shape_cast %slice3A_50 : vector<1000x128xi32> to vector<1000x1x128xi32>
      tpu.vector_store %arg4[%swap3A_51, %swap3A_52, %swap3A_53], %swap3A_56 {strides = array<i32>} : memref<1000x8x128xi32, #tpu.memory_space<vmem>>, vector<1000x1x128xi32>,
      %slice3A_57 = vector.extract_strided_slice %or3A {offsets = [0, 640], sizes = [1000, 128], strides = [1, 1]} : vector<1000x1024xi32> to vector<1000x128xi32>
      %swap3A_58 = arith.constant 0 : index
      %swap3A_59 = arith.constant 5 : index
      %swap3A_60 = arith.constant 0 : index
      %swap3A_61 = vector.load %arg4[%swap3A_58, %swap3A_59, %swap3A_60] : memref<1000x8x128xi32, #tpu.memory_space<vmem>>, vector<1000x1x128xi32>
      %swap3A_62 = vector.shape_cast %swap3A_61 : vector<1000x1x128xi32> to vector<1000x128xi32>
      %swap3A_63 = vector.shape_cast %slice3A_57 : vector<1000x128xi32> to vector<1000x1x128xi32>
      tpu.vector_store %arg4[%swap3A_58, %swap3A_59, %swap3A_60], %swap3A_63 {strides = array<i32>} : memref<1000x8x128xi32, #tpu.memory_space<vmem>>, vector<1000x1x128xi32>,
      %slice3A_64 = vector.extract_strided_slice %or3A {offsets = [0, 768], sizes = [1000, 128], strides = [1, 1]} : vector<1000x1024xi32> to vector<1000x128xi32>
      %swap3A_65 = arith.constant 0 : index
      %swap3A_66 = arith.constant 6 : index
      %swap3A_67 = arith.constant 0 : index
      %swap3A_68 = vector.load %arg4[%swap3A_65, %swap3A_66, %swap3A_67] : memref<1000x8x128xi32, #tpu.memory_space<vmem>>, vector<1000x1x128xi32>
      %swap3A_69 = vector.shape_cast %swap3A_68 : vector<1000x1x128xi32> to vector<1000x128xi32>
      %swap3A_70 = vector.shape_cast %slice3A_64 : vector<1000x128xi32> to vector<1000x1x128xi32>
      tpu.vector_store %arg4[%swap3A_65, %swap3A_66, %swap3A_67], %swap3A_70 {strides = array<i32>} : memref<1000x8x128xi32, #tpu.memory_space<vmem>>, vector<1000x1x128xi32>,
      %slice3A_71 = vector.extract_strided_slice %or3A {offsets = [0, 896], sizes = [1000, 128], strides = [1, 1]} : vector<1000x1024xi32> to vector<1000x128xi32>
      %swap3A_72 = arith.constant 0 : index
      %swap3A_73 = arith.constant 7 : index
      %swap3A_74 = arith.constant 0 : index
      %swap3A_75 = vector.load %arg4[%swap3A_72, %swap3A_73, %swap3A_74] : memref<1000x8x128xi32, #tpu.memory_space<vmem>>, vector<1000x1x128xi32>
      %swap3A_76 = vector.shape_cast %swap3A_75 : vector<1000x1x128xi32> to vector<1000x128xi32>
      %swap3A_77 = vector.shape_cast %slice3A_71 : vector<1000x128xi32> to vector<1000x1x128xi32>
      tpu.vector_store %arg4[%swap3A_72, %swap3A_73, %swap3A_74], %swap3A_77 {strides = array<i32>} : memref<1000x8x128xi32, #tpu.memory_space<vmem>>, vector<1000x1x128xi32>,
    } else {
    }
    return
  }
  func.func @transform_0(%arg0: i32, %arg1: i32) -> (i32, i32) {
    %c0_i32 = arith.constant 0 : i32
    %c0_i32_0 = arith.constant 0 : i32
    return %arg0, %c0_i32 : i32, i32
  }
  func.func @transform_1(%arg0: i32, %arg1: i32) -> (i32, i32) {
    %c0_i32 = arith.constant 0 : i32
    %c0_i32_0 = arith.constant 0 : i32
    return %arg1, %c0_i32 : i32, i32
  }
  func.func @transform_2(%arg0: i32, %arg1: i32) -> (i32, i32, i32) {
    %mul3A = arith.constant 1000 : i32
    %mul3A_0 = arith.muli %arg0, %mul3A : i32
    %jit3A = arith.constant 2048 : i32
    %div3A = arith.divsi %mul3A_0, %jit3A : i32
    %sign3A = arith.constant 0 : i32
    %sign3A_1 = arith.cmpi sgt, %mul3A_0, %sign3A : i32
    %sign3A_2 = arith.extui %sign3A_1 : i1 to i32
    %sign3A_3 = arith.constant 0 : i32
    %sign3A_4 = arith.cmpi slt, %mul3A_0, %sign3A_3 : i32
    %sign3A_5 = arith.extui %sign3A_4 : i1 to i32
    %sign3A_6 = arith.subi %sign3A_2, %sign3A_5 : i32
    %sign3A_7 = arith.constant 0 : i32
    %sign3A_8 = arith.cmpi sgt, %jit3A, %sign3A_7 : i32
    %sign3A_9 = arith.extui %sign3A_8 : i1 to i32
    %sign3A_10 = arith.constant 0 : i32
    %sign3A_11 = arith.cmpi slt, %jit3A, %sign3A_10 : i32
    %sign3A_12 = arith.extui %sign3A_11 : i1 to i32
    %sign3A_13 = arith.subi %sign3A_9, %sign3A_12 : i32
    %ne3A = arith.cmpi ne, %sign3A_6, %sign3A_13 : i32
    %rem3A = arith.remsi %mul3A_0, %jit3A : i32
    %ne3A_14 = arith.constant 0 : i32
    %ne3A_15 = arith.cmpi ne, %rem3A, %ne3A_14 : i32
    %and3A = arith.andi %ne3A, %ne3A_15 : i1
    %sub3A = arith.constant 1 : i32
    %sub3A_16 = arith.subi %div3A, %sub3A : i32
    %select_n3A = arith.select %and3A, %sub3A_16, %div3A : i32
    %max3A = arith.maxsi %arg1, %select_n3A : i32
    %c0_i32 = arith.constant 0 : i32
    %c0_i32_17 = arith.constant 0 : i32
    return %arg0, %max3A, %c0_i32 : i32, i32, i32
  }
}

module attributes {stable_mosaic.version = 14 : i64} {
  func.func @_softmax_norms_body(%arg0: i32, %arg1: memref<1x10000x128xf32, #tpu.memory_space<vmem>>, %arg2: memref<1x10000x128xf32, #tpu.memory_space<vmem>>, %arg3: memref<1x1x1x10000xf32, #tpu.memory_space<vmem>>) attributes {dimension_semantics = [#tpu.dimension_semantics<arbitrary>], iteration_bounds = array<i64: 2>, scalar_prefetch = 0 : i64, scratch_operands = 0 : i64, tpu.core_type = #tpu.core_type<tc>, window_params = [{transform_indices = @transform_0, window_bounds = array<i64: 1, 10000, 128>}, {transform_indices = @transform_1, window_bounds = array<i64: 1, 10000, 128>}, {transform_indices = @transform_2, window_bounds = array<i64: 1, 1, 1, 10000>}]} {
    %get3A = arith.constant 0 : index
    %get3A_0 = arith.constant 0 : index
    %get3A_1 = arith.constant 0 : index
    %get3A_2 = vector.load %arg1[%get3A, %get3A_0, %get3A_1] : memref<1x10000x128xf32, #tpu.memory_space<vmem>>, vector<1x10000x128xf32>
    %get3A_3 = vector.shape_cast %get3A_2 : vector<1x10000x128xf32> to vector<10000x128xf32>
    %reduce_max3A = arith.constant dense<0xFF800000> : vector<10000xf32>
    %reduce_max3A_4 = vector.multi_reduction <maximumf>, %get3A_3, %reduce_max3A [1] : vector<10000x128xf32> to vector<10000xf32>
    %broadcast_in_dim3A = vector.shape_cast %reduce_max3A_4 : vector<10000xf32> to vector<10000x1xf32>
    %sub3A = vector.broadcast %broadcast_in_dim3A : vector<10000x1xf32> to vector<10000x128xf32>
    %sub3A_5 = arith.subf %get3A_3, %sub3A : vector<10000x128xf32>
    %exp3A = math.exp %sub3A_5 : vector<10000x128xf32>
    %reduce_sum3A = arith.constant dense<0.000000e+00> : vector<10000xf32>
    %reduce_sum3A_6 = vector.multi_reduction <add>, %exp3A, %reduce_sum3A [1] : vector<10000x128xf32> to vector<10000xf32>
    %broadcast_in_dim3A_7 = vector.shape_cast %reduce_sum3A_6 : vector<10000xf32> to vector<10000x1xf32>
    %div3A = vector.broadcast %broadcast_in_dim3A_7 : vector<10000x1xf32> to vector<10000x128xf32>
    %div3A_8 = arith.divf %exp3A, %div3A : vector<10000x128xf32>
    %swap3A = arith.constant 0 : index
    %swap3A_9 = arith.constant 0 : index
    %swap3A_10 = arith.constant 0 : index
    %swap3A_11 = vector.load %arg2[%swap3A, %swap3A_9, %swap3A_10] : memref<1x10000x128xf32, #tpu.memory_space<vmem>>, vector<1x10000x128xf32>
    %swap3A_12 = vector.shape_cast %swap3A_11 : vector<1x10000x128xf32> to vector<10000x128xf32>
    %swap3A_13 = vector.shape_cast %div3A_8 : vector<10000x128xf32> to vector<1x10000x128xf32>
    tpu.vector_store %arg2[%swap3A, %swap3A_9, %swap3A_10], %swap3A_13 {strides = array<i32>} : memref<1x10000x128xf32, #tpu.memory_space<vmem>>, vector<1x10000x128xf32>,
    %mul3A = arith.mulf %div3A_8, %div3A_8 : vector<10000x128xf32>
    %reduce_sum3A_14 = arith.constant dense<0.000000e+00> : vector<10000xf32>
    %reduce_sum3A_15 = vector.multi_reduction <add>, %mul3A, %reduce_sum3A_14 [1] : vector<10000x128xf32> to vector<10000xf32>
    %swap3A_16 = arith.constant 0 : index
    %swap3A_17 = arith.constant 0 : index
    %swap3A_18 = arith.constant 0 : index
    %swap3A_19 = arith.constant 0 : index
    %swap3A_20 = vector.load %arg3[%swap3A_16, %swap3A_17, %swap3A_18, %swap3A_19] : memref<1x1x1x10000xf32, #tpu.memory_space<vmem>>, vector<1x1x1x10000xf32>
    %swap3A_21 = vector.shape_cast %swap3A_20 : vector<1x1x1x10000xf32> to vector<10000xf32>
    %swap3A_22 = vector.shape_cast %reduce_sum3A_15 : vector<10000xf32> to vector<1x1x1x10000xf32>
    tpu.vector_store %arg3[%swap3A_16, %swap3A_17, %swap3A_18, %swap3A_19], %swap3A_22 {strides = array<i32>} : memref<1x1x1x10000xf32, #tpu.memory_space<vmem>>, vector<1x1x1x10000xf32>,
    return
  }
  func.func @transform_0(%arg0: i32) -> (i32, i32, i32) {
    %c0_i32 = arith.constant 0 : i32
    %c0_i32_0 = arith.constant 0 : i32
    %c0_i32_1 = arith.constant 0 : i32
    return %arg0, %c0_i32, %c0_i32_0 : i32, i32, i32
  }
  func.func @transform_1(%arg0: i32) -> (i32, i32, i32) {
    %c0_i32 = arith.constant 0 : i32
    %c0_i32_0 = arith.constant 0 : i32
    %c0_i32_1 = arith.constant 0 : i32
    return %arg0, %c0_i32, %c0_i32_0 : i32, i32, i32
  }
  func.func @transform_2(%arg0: i32) -> (i32, i32, i32, i32) {
    %c0_i32 = arith.constant 0 : i32
    %c0_i32_0 = arith.constant 0 : i32
    %c0_i32_1 = arith.constant 0 : i32
    %c0_i32_2 = arith.constant 0 : i32
    return %arg0, %c0_i32, %c0_i32_0, %c0_i32_1 : i32, i32, i32, i32
  }
}

module attributes {stable_mosaic.version = 14 : i64} {
  func.func @_finalize_body(%arg0: memref<2500x128xf32, #tpu.memory_space<vmem>>, %arg1: memref<2500x128xf32, #tpu.memory_space<vmem>>, %arg2: memref<2500x128xf32, #tpu.memory_space<vmem>>, %arg3: memref<2500x128xf32, #tpu.memory_space<vmem>>, %arg4: memref<2500x128xf32, #tpu.memory_space<vmem>>, %arg5: memref<2500x128xf32, #tpu.memory_space<vmem>>, %arg6: memref<1x128xf32, #tpu.memory_space<vmem>>, %arg7: memref<1x1xf32, #tpu.memory_space<vmem>>) attributes {dimension_semantics = [], scalar_prefetch = 0 : i64, scratch_operands = 0 : i64, tpu.core_type = #tpu.core_type<tc>} {
    %get3A = arith.constant 0 : index
    %get3A_0 = arith.constant 0 : index
    %get3A_1 = vector.load %arg0[%get3A, %get3A_0] : memref<2500x128xf32, #tpu.memory_space<vmem>>, vector<2500x128xf32>
    %sqrt3A = math.sqrt %get3A_1 : vector<2500x128xf32>
    %get3A_2 = arith.constant 0 : index
    %get3A_3 = arith.constant 0 : index
    %get3A_4 = vector.load %arg1[%get3A_2, %get3A_3] : memref<2500x128xf32, #tpu.memory_space<vmem>>, vector<2500x128xf32>
    %sqrt3A_5 = math.sqrt %get3A_4 : vector<2500x128xf32>
    %get3A_6 = arith.constant 0 : index
    %get3A_7 = arith.constant 0 : index
    %get3A_8 = vector.load %arg4[%get3A_6, %get3A_7] : memref<2500x128xf32, #tpu.memory_space<vmem>>, vector<2500x128xf32>
    %get3A_9 = arith.constant 0 : index
    %get3A_10 = arith.constant 0 : index
    %get3A_11 = vector.load %arg5[%get3A_9, %get3A_10] : memref<2500x128xf32, #tpu.memory_space<vmem>>, vector<2500x128xf32>
    %mul3A = arith.mulf %sqrt3A, %get3A_8 : vector<2500x128xf32>
    %mul3A_12 = arith.mulf %sqrt3A_5, %get3A_11 : vector<2500x128xf32>
    %reduce_sum3A = vector.shape_cast %get3A_8 : vector<2500x128xf32> to vector<1x2500x128xf32>
    %reduce_sum3A_13 = arith.constant dense<0.000000e+00> : vector<1xf32>
    %reduce_sum3A_14 = vector.multi_reduction <add>, %reduce_sum3A, %reduce_sum3A_13 [1, 2] : vector<1x2500x128xf32> to vector<1xf32>
    %reduce_sum3A_15 = vector.shape_cast %reduce_sum3A_14 : vector<1xf32> to vector<1x1x1xf32>
    %reduce_sum3A_16 = vector.extract %reduce_sum3A_15[0, 0, 0] : f32 from vector<1x1x1xf32>
    %reduce_sum3A_17 = vector.shape_cast %get3A_11 : vector<2500x128xf32> to vector<1x2500x128xf32>
    %reduce_sum3A_18 = arith.constant dense<0.000000e+00> : vector<1xf32>
    %reduce_sum3A_19 = vector.multi_reduction <add>, %reduce_sum3A_17, %reduce_sum3A_18 [1, 2] : vector<1x2500x128xf32> to vector<1xf32>
    %reduce_sum3A_20 = vector.shape_cast %reduce_sum3A_19 : vector<1xf32> to vector<1x1x1xf32>
    %reduce_sum3A_21 = vector.extract %reduce_sum3A_20[0, 0, 0] : f32 from vector<1x1x1xf32>
    %add3A = arith.addf %reduce_sum3A_16, %reduce_sum3A_21 : f32
    %reduce_sum3A_22 = vector.shape_cast %mul3A : vector<2500x128xf32> to vector<1x2500x128xf32>
    %reduce_sum3A_23 = arith.constant dense<0.000000e+00> : vector<1xf32>
    %reduce_sum3A_24 = vector.multi_reduction <add>, %reduce_sum3A_22, %reduce_sum3A_23 [1, 2] : vector<1x2500x128xf32> to vector<1xf32>
    %reduce_sum3A_25 = vector.shape_cast %reduce_sum3A_24 : vector<1xf32> to vector<1x1x1xf32>
    %reduce_sum3A_26 = vector.extract %reduce_sum3A_25[0, 0, 0] : f32 from vector<1x1x1xf32>
    %reduce_sum3A_27 = vector.shape_cast %mul3A_12 : vector<2500x128xf32> to vector<1x2500x128xf32>
    %reduce_sum3A_28 = arith.constant dense<0.000000e+00> : vector<1xf32>
    %reduce_sum3A_29 = vector.multi_reduction <add>, %reduce_sum3A_27, %reduce_sum3A_28 [1, 2] : vector<1x2500x128xf32> to vector<1xf32>
    %reduce_sum3A_30 = vector.shape_cast %reduce_sum3A_29 : vector<1xf32> to vector<1x1x1xf32>
    %reduce_sum3A_31 = vector.extract %reduce_sum3A_30[0, 0, 0] : f32 from vector<1x1x1xf32>
    %add3A_32 = arith.addf %reduce_sum3A_26, %reduce_sum3A_31 : f32
    %gt3A = arith.constant 0.000000e+00 : f32
    %gt3A_33 = arith.cmpf ogt, %add3A, %gt3A : f32
    %max3A = arith.constant 1.000000e+00 : f32
    %max3A_34 = arith.maximumf %add3A, %max3A : f32
    %div3A = arith.divf %add3A_32, %max3A_34 : f32
    %jit3A = arith.constant 0.000000e+00 : f32
    %select_n3A = arith.select %gt3A_33, %div3A, %jit3A : f32
    %get3A_35 = arith.constant 0 : index
    %get3A_36 = arith.constant 0 : index
    %get3A_37 = vector.load %arg2[%get3A_35, %get3A_36] : memref<2500x128xf32, #tpu.memory_space<vmem>>, vector<2500x128xf32>
    %lt3A = arith.constant 3.000000e+00 : f32
    %lt3A_38 = vector.broadcast %lt3A : f32 to vector<2500x128xf32>
    %lt3A_39 = arith.cmpf olt, %get3A_37, %lt3A_38 : vector<2500x128xf32>
    %convert_element_type3A = arith.extui %lt3A_39 : vector<2500x128xi1> to vector<2500x128xi32>
    %convert_element_type3A_40 = arith.sitofp %convert_element_type3A : vector<2500x128xi32> to vector<2500x128xf32>
    %get3A_41 = arith.constant 0 : index
    %get3A_42 = arith.constant 0 : index
    %get3A_43 = vector.load %arg3[%get3A_41, %get3A_42] : memref<2500x128xf32, #tpu.memory_space<vmem>>, vector<2500x128xf32>
    %lt3A_44 = arith.constant 3.000000e+00 : f32
    %lt3A_45 = vector.broadcast %lt3A_44 : f32 to vector<2500x128xf32>
    %lt3A_46 = arith.cmpf olt, %get3A_43, %lt3A_45 : vector<2500x128xf32>
    %convert_element_type3A_47 = arith.extui %lt3A_46 : vector<2500x128xi1> to vector<2500x128xi32>
    %convert_element_type3A_48 = arith.sitofp %convert_element_type3A_47 : vector<2500x128xi32> to vector<2500x128xf32>
    %mul3A_49 = arith.mulf %sqrt3A, %convert_element_type3A_40 : vector<2500x128xf32>
    %mul3A_50 = arith.mulf %sqrt3A_5, %convert_element_type3A_48 : vector<2500x128xf32>
    %reduce_sum3A_51 = vector.shape_cast %convert_element_type3A_40 : vector<2500x128xf32> to vector<1x2500x128xf32>
    %reduce_sum3A_52 = arith.constant dense<0.000000e+00> : vector<1xf32>
    %reduce_sum3A_53 = vector.multi_reduction <add>, %reduce_sum3A_51, %reduce_sum3A_52 [1, 2] : vector<1x2500x128xf32> to vector<1xf32>
    %reduce_sum3A_54 = vector.shape_cast %reduce_sum3A_53 : vector<1xf32> to vector<1x1x1xf32>
    %reduce_sum3A_55 = vector.extract %reduce_sum3A_54[0, 0, 0] : f32 from vector<1x1x1xf32>
    %reduce_sum3A_56 = vector.shape_cast %convert_element_type3A_48 : vector<2500x128xf32> to vector<1x2500x128xf32>
    %reduce_sum3A_57 = arith.constant dense<0.000000e+00> : vector<1xf32>
    %reduce_sum3A_58 = vector.multi_reduction <add>, %reduce_sum3A_56, %reduce_sum3A_57 [1, 2] : vector<1x2500x128xf32> to vector<1xf32>
    %reduce_sum3A_59 = vector.shape_cast %reduce_sum3A_58 : vector<1xf32> to vector<1x1x1xf32>
    %reduce_sum3A_60 = vector.extract %reduce_sum3A_59[0, 0, 0] : f32 from vector<1x1x1xf32>
    %add3A_61 = arith.addf %reduce_sum3A_55, %reduce_sum3A_60 : f32
    %reduce_sum3A_62 = vector.shape_cast %mul3A_49 : vector<2500x128xf32> to vector<1x2500x128xf32>
    %reduce_sum3A_63 = arith.constant dense<0.000000e+00> : vector<1xf32>
    %reduce_sum3A_64 = vector.multi_reduction <add>, %reduce_sum3A_62, %reduce_sum3A_63 [1, 2] : vector<1x2500x128xf32> to vector<1xf32>
    %reduce_sum3A_65 = vector.shape_cast %reduce_sum3A_64 : vector<1xf32> to vector<1x1x1xf32>
    %reduce_sum3A_66 = vector.extract %reduce_sum3A_65[0, 0, 0] : f32 from vector<1x1x1xf32>
    %reduce_sum3A_67 = vector.shape_cast %mul3A_50 : vector<2500x128xf32> to vector<1x2500x128xf32>
    %reduce_sum3A_68 = arith.constant dense<0.000000e+00> : vector<1xf32>
    %reduce_sum3A_69 = vector.multi_reduction <add>, %reduce_sum3A_67, %reduce_sum3A_68 [1, 2] : vector<1x2500x128xf32> to vector<1xf32>
    %reduce_sum3A_70 = vector.shape_cast %reduce_sum3A_69 : vector<1xf32> to vector<1x1x1xf32>
    %reduce_sum3A_71 = vector.extract %reduce_sum3A_70[0, 0, 0] : f32 from vector<1x1x1xf32>
    %add3A_72 = arith.addf %reduce_sum3A_66, %reduce_sum3A_71 : f32
    %gt3A_73 = arith.constant 0.000000e+00 : f32
    %gt3A_74 = arith.cmpf ogt, %add3A_61, %gt3A_73 : f32
    %max3A_75 = arith.constant 1.000000e+00 : f32
    %max3A_76 = arith.maximumf %add3A_61, %max3A_75 : f32
    %div3A_77 = arith.divf %add3A_72, %max3A_76 : f32
    %jit3A_78 = arith.constant 0.000000e+00 : f32
    %select_n3A_79 = arith.select %gt3A_74, %div3A_77, %jit3A_78 : f32
    %bitcast_convert_type3A = tpu.bitcast %sqrt3A : vector<2500x128xf32> -> vector<2500x128xi32>
    %bitcast_convert_type3A_80 = tpu.bitcast %sqrt3A_5 : vector<2500x128xf32> -> vector<2500x128xi32>
    %scan3A = arith.constant 0 : i32
    %scan3A_81 = arith.constant 2139095040 : i32
    %scan3A_82 = arith.constant 0 : i32
    %scan3A_83 = arith.constant 31 : i32
    %scan3A_84 = arith.addi %scan3A_82, %scan3A_83 : i32
    %scan3A_85 = arith.constant 1 : i32
    %scan3A_86:2 = scf.for %scan3A_148 = %scan3A_82 to %scan3A_84 step %scan3A_85 iter_args(%scan3A_149 = %scan3A, %scan3A_150 = %scan3A_81) -> (i32, i32)  : i32 {
      %add3A_151 = arith.addi %scan3A_149, %scan3A_150 : i32
      %jit3A_152 = arith.constant 2 : i32
      %div3A_153 = arith.divsi %add3A_151, %jit3A_152 : i32
      %sign3A = arith.constant 0 : i32
      %sign3A_154 = arith.cmpi sgt, %add3A_151, %sign3A : i32
      %sign3A_155 = arith.extui %sign3A_154 : i1 to i32
      %sign3A_156 = arith.constant 0 : i32
      %sign3A_157 = arith.cmpi slt, %add3A_151, %sign3A_156 : i32
      %sign3A_158 = arith.extui %sign3A_157 : i1 to i32
      %sign3A_159 = arith.subi %sign3A_155, %sign3A_158 : i32
      %sign3A_160 = arith.constant 0 : i32
      %sign3A_161 = arith.cmpi sgt, %jit3A_152, %sign3A_160 : i32
      %sign3A_162 = arith.extui %sign3A_161 : i1 to i32
      %sign3A_163 = arith.constant 0 : i32
      %sign3A_164 = arith.cmpi slt, %jit3A_152, %sign3A_163 : i32
      %sign3A_165 = arith.extui %sign3A_164 : i1 to i32
      %sign3A_166 = arith.subi %sign3A_162, %sign3A_165 : i32
      %ne3A = arith.cmpi ne, %sign3A_159, %sign3A_166 : i32
      %rem3A = arith.remsi %add3A_151, %jit3A_152 : i32
      %ne3A_167 = arith.constant 0 : i32
      %ne3A_168 = arith.cmpi ne, %rem3A, %ne3A_167 : i32
      %and3A = arith.andi %ne3A, %ne3A_168 : i1
      %sub3A = arith.constant 1 : i32
      %sub3A_169 = arith.subi %div3A_153, %sub3A : i32
      %select_n3A_170 = arith.select %and3A, %sub3A_169, %div3A_153 : i32
      %le3A = vector.broadcast %select_n3A_170 : i32 to vector<2500x128xi32>
      %le3A_171 = arith.cmpi sle, %bitcast_convert_type3A, %le3A : vector<2500x128xi32>
      %convert_element_type3A_172 = arith.extui %le3A_171 : vector<2500x128xi1> to vector<2500x128xi32>
      %reduce_sum3A_173 = vector.shape_cast %convert_element_type3A_172 : vector<2500x128xi32> to vector<1x2500x128xi32>
      %reduce_sum3A_174 = arith.constant dense<0> : vector<1xi32>
      %reduce_sum3A_175 = vector.multi_reduction <add>, %reduce_sum3A_173, %reduce_sum3A_174 [1, 2] : vector<1x2500x128xi32> to vector<1xi32>
      %reduce_sum3A_176 = vector.shape_cast %reduce_sum3A_175 : vector<1xi32> to vector<1x1x1xi32>
      %reduce_sum3A_177 = vector.extract %reduce_sum3A_176[0, 0, 0] : i32 from vector<1x1x1xi32>
      %le3A_178 = vector.broadcast %select_n3A_170 : i32 to vector<2500x128xi32>
      %le3A_179 = arith.cmpi sle, %bitcast_convert_type3A_80, %le3A_178 : vector<2500x128xi32>
      %convert_element_type3A_180 = arith.extui %le3A_179 : vector<2500x128xi1> to vector<2500x128xi32>
      %reduce_sum3A_181 = vector.shape_cast %convert_element_type3A_180 : vector<2500x128xi32> to vector<1x2500x128xi32>
      %reduce_sum3A_182 = arith.constant dense<0> : vector<1xi32>
      %reduce_sum3A_183 = vector.multi_reduction <add>, %reduce_sum3A_181, %reduce_sum3A_182 [1, 2] : vector<1x2500x128xi32> to vector<1xi32>
      %reduce_sum3A_184 = vector.shape_cast %reduce_sum3A_183 : vector<1xi32> to vector<1x1x1xi32>
      %reduce_sum3A_185 = vector.extract %reduce_sum3A_184[0, 0, 0] : i32 from vector<1x1x1xi32>
      %add3A_186 = arith.addi %reduce_sum3A_177, %reduce_sum3A_185 : i32
      %ge3A = arith.constant 576000 : i32
      %ge3A_187 = arith.cmpi sge, %add3A_186, %ge3A : i32
      %add3A_188 = arith.constant 1 : i32
      %add3A_189 = arith.addi %select_n3A_170, %add3A_188 : i32
      %select_n3A_190 = arith.select %ge3A_187, %scan3A_149, %add3A_189 : i32
      %ge3A_191 = arith.constant 576000 : i32
      %ge3A_192 = arith.cmpi sge, %add3A_186, %ge3A_191 : i32
      %select_n3A_193 = arith.select %ge3A_192, %select_n3A_170, %scan3A_150 : i32
      scf.yield %select_n3A_190, %select_n3A_193 : i32, i32
    }
    %bitcast_convert_type3A_87 = arith.bitcast %scan3A_86#1 : i32 to f32
    %gt3A_88 = vector.broadcast %bitcast_convert_type3A_87 : f32 to vector<2500x128xf32>
    %gt3A_89 = arith.cmpf ogt, %sqrt3A, %gt3A_88 : vector<2500x128xf32>
    %convert_element_type3A_90 = arith.extui %gt3A_89 : vector<2500x128xi1> to vector<2500x128xi32>
    %convert_element_type3A_91 = arith.sitofp %convert_element_type3A_90 : vector<2500x128xi32> to vector<2500x128xf32>
    %gt3A_92 = vector.broadcast %bitcast_convert_type3A_87 : f32 to vector<2500x128xf32>
    %gt3A_93 = arith.cmpf ogt, %sqrt3A_5, %gt3A_92 : vector<2500x128xf32>
    %convert_element_type3A_94 = arith.extui %gt3A_93 : vector<2500x128xi1> to vector<2500x128xi32>
    %convert_element_type3A_95 = arith.sitofp %convert_element_type3A_94 : vector<2500x128xi32> to vector<2500x128xf32>
    %mul3A_96 = arith.mulf %sqrt3A, %convert_element_type3A_91 : vector<2500x128xf32>
    %mul3A_97 = arith.mulf %sqrt3A_5, %convert_element_type3A_95 : vector<2500x128xf32>
    %reduce_sum3A_98 = vector.shape_cast %convert_element_type3A_91 : vector<2500x128xf32> to vector<1x2500x128xf32>
    %reduce_sum3A_99 = arith.constant dense<0.000000e+00> : vector<1xf32>
    %reduce_sum3A_100 = vector.multi_reduction <add>, %reduce_sum3A_98, %reduce_sum3A_99 [1, 2] : vector<1x2500x128xf32> to vector<1xf32>
    %reduce_sum3A_101 = vector.shape_cast %reduce_sum3A_100 : vector<1xf32> to vector<1x1x1xf32>
    %reduce_sum3A_102 = vector.extract %reduce_sum3A_101[0, 0, 0] : f32 from vector<1x1x1xf32>
    %reduce_sum3A_103 = vector.shape_cast %convert_element_type3A_95 : vector<2500x128xf32> to vector<1x2500x128xf32>
    %reduce_sum3A_104 = arith.constant dense<0.000000e+00> : vector<1xf32>
    %reduce_sum3A_105 = vector.multi_reduction <add>, %reduce_sum3A_103, %reduce_sum3A_104 [1, 2] : vector<1x2500x128xf32> to vector<1xf32>
    %reduce_sum3A_106 = vector.shape_cast %reduce_sum3A_105 : vector<1xf32> to vector<1x1x1xf32>
    %reduce_sum3A_107 = vector.extract %reduce_sum3A_106[0, 0, 0] : f32 from vector<1x1x1xf32>
    %add3A_108 = arith.addf %reduce_sum3A_102, %reduce_sum3A_107 : f32
    %reduce_sum3A_109 = vector.shape_cast %mul3A_96 : vector<2500x128xf32> to vector<1x2500x128xf32>
    %reduce_sum3A_110 = arith.constant dense<0.000000e+00> : vector<1xf32>
    %reduce_sum3A_111 = vector.multi_reduction <add>, %reduce_sum3A_109, %reduce_sum3A_110 [1, 2] : vector<1x2500x128xf32> to vector<1xf32>
    %reduce_sum3A_112 = vector.shape_cast %reduce_sum3A_111 : vector<1xf32> to vector<1x1x1xf32>
    %reduce_sum3A_113 = vector.extract %reduce_sum3A_112[0, 0, 0] : f32 from vector<1x1x1xf32>
    %reduce_sum3A_114 = vector.shape_cast %mul3A_97 : vector<2500x128xf32> to vector<1x2500x128xf32>
    %reduce_sum3A_115 = arith.constant dense<0.000000e+00> : vector<1xf32>
    %reduce_sum3A_116 = vector.multi_reduction <add>, %reduce_sum3A_114, %reduce_sum3A_115 [1, 2] : vector<1x2500x128xf32> to vector<1xf32>
    %reduce_sum3A_117 = vector.shape_cast %reduce_sum3A_116 : vector<1xf32> to vector<1x1x1xf32>
    %reduce_sum3A_118 = vector.extract %reduce_sum3A_117[0, 0, 0] : f32 from vector<1x1x1xf32>
    %add3A_119 = arith.addf %reduce_sum3A_113, %reduce_sum3A_118 : f32
    %gt3A_120 = arith.constant 0.000000e+00 : f32
    %gt3A_121 = arith.cmpf ogt, %add3A_108, %gt3A_120 : f32
    %max3A_122 = arith.constant 1.000000e+00 : f32
    %max3A_123 = arith.maximumf %add3A_108, %max3A_122 : f32
    %div3A_124 = arith.divf %add3A_119, %max3A_123 : f32
    %jit3A_125 = arith.constant 0.000000e+00 : f32
    %select_n3A_126 = arith.select %gt3A_121, %div3A_124, %jit3A_125 : f32
    %get3A_127 = arith.constant 0 : index
    %get3A_128 = arith.constant 0 : index
    %get3A_129 = vector.load %arg6[%get3A_127, %get3A_128] : memref<1x128xf32, #tpu.memory_space<vmem>>, vector<1x128xf32>
    %exp3A = math.exp %get3A_129 : vector<1x128xf32>
    %reduce_sum3A_130 = vector.shape_cast %exp3A : vector<1x128xf32> to vector<1x1x128xf32>
    %reduce_sum3A_131 = arith.constant dense<0.000000e+00> : vector<1xf32>
    %reduce_sum3A_132 = vector.multi_reduction <add>, %reduce_sum3A_130, %reduce_sum3A_131 [1, 2] : vector<1x1x128xf32> to vector<1xf32>
    %reduce_sum3A_133 = vector.shape_cast %reduce_sum3A_132 : vector<1xf32> to vector<1x1x1xf32>
    %reduce_sum3A_134 = vector.extract %reduce_sum3A_133[0, 0, 0] : f32 from vector<1x1x1xf32>
    %div3A_135 = vector.broadcast %reduce_sum3A_134 : f32 to vector<1x128xf32>
    %div3A_136 = arith.divf %exp3A, %div3A_135 : vector<1x128xf32>
    %slice3A = vector.extract_strided_slice %div3A_136 {offsets = [0, 0], sizes = [1, 1], strides = [1, 1]} : vector<1x128xf32> to vector<1x1xf32>
    %squeeze3A = vector.extract %slice3A[0, 0] : f32 from vector<1x1xf32>
    %mul3A_137 = arith.mulf %squeeze3A, %select_n3A : f32
    %slice3A_138 = vector.extract_strided_slice %div3A_136 {offsets = [0, 1], sizes = [1, 1], strides = [1, 1]} : vector<1x128xf32> to vector<1x1xf32>
    %squeeze3A_139 = vector.extract %slice3A_138[0, 0] : f32 from vector<1x1xf32>
    %mul3A_140 = arith.mulf %squeeze3A_139, %select_n3A_79 : f32
    %add3A_141 = arith.addf %mul3A_137, %mul3A_140 : f32
    %slice3A_142 = vector.extract_strided_slice %div3A_136 {offsets = [0, 2], sizes = [1, 1], strides = [1, 1]} : vector<1x128xf32> to vector<1x1xf32>
    %squeeze3A_143 = vector.extract %slice3A_142[0, 0] : f32 from vector<1x1xf32>
    %mul3A_144 = arith.mulf %squeeze3A_143, %select_n3A_126 : f32
    %add3A_145 = arith.addf %add3A_141, %mul3A_144 : f32
    %reshape3A = vector.broadcast %add3A_145 : f32 to vector<1x1xf32>
    %swap3A = arith.constant 0 : index
    %swap3A_146 = arith.constant 0 : index
    %swap3A_147 = vector.load %arg7[%swap3A, %swap3A_146] : memref<1x1xf32, #tpu.memory_space<vmem>>, vector<1x1xf32>
    tpu.vector_store %arg7[%swap3A, %swap3A_146], %reshape3A {strides = array<i32>} : memref<1x1xf32, #tpu.memory_space<vmem>>, vector<1x1xf32>,
    return
  }
}

</mosaic_0001>

<sc_bundles>
// kernel: kernel.11.cloned.1.call-start
scs
__scs_entry_jumppad:
0x0: {  	(pc) =	sbr.rel $0x88, $3  }
0x1: {  	(tag) =	ssettag $0x0;
	lr =	simm.s32 $0x1  }
0x2: {  	[smem:$0x3F98] =	sst lr;
	_ =	strace $0xD0000000  }
0x3: {  	_ = 	snop  }
0x4: {  	_ = 	snop  }
0x5: {  	_ = 	snop  }
0x6: {  	_ = 	snop  }
0x7: {  	_ = 	snop  }
__scs_overlays_trampoline_lowered:
0x8: {  	[smem:$0x3FA7] =	sst s0  }
0x9: {  	[smem:$0x3FA8] =	sst s1  }
0xa: {  	[smem:$0x3FA9] =	sst s2  }
0xb: {  	[smem:$0x3FAA] =	sst s3  }
0xc: {  	[smem:$0x3FAB] =	sst s4  }
0xd: {  	[smem:$0x3FAC] =	sst s5  }
0xe: {  	[smem:$0x3FAD] =	sst s6  }
0xf: {  	[smem:$0x3FAE] =	sst s7  }
0x10: {  	[smem:$0x3FAF] =	sst s8  }
0x11: {  	[smem:$0x3FB0] =	sst s9;
	s0 =	simm.s32 @!p0 $0x0  }
0x12: {  	s1 =	sld [smem:$0x3F96];
	s0 =	simm.s32 @p0 $0x1  }
0x13: {  	[smem:$0x3FB1] =	sst s0;
	s0 =	simm.s32 @!p1 $0x0  }
0x14: {  	s2 =	sld [smem:$0x3F95];
	s0 =	simm.s32 @p1 $0x1  }
0x15: {  	[smem:$0x3FB2] =	sst s0;
	s0 =	simm.s32 @!p2 $0x0  }
0x16: {  	s3 =	sld [smem:$0x3FDB];
	s0 =	simm.s32 @p2 $0x1  }
0x17: {  	s4 =	simm.s32 $0x1BF5;
	[smem:$0x3FB4] =	sst s0  }
0x18: {  	s0 =	sld [smem:$0x3F97];
	_ =	swait.ge [sflag:s4], $0x0  }
0x19: {  	s7 =	sld [smem:$0x3F98]  }
0x1a: {  	s8 =	sadd.s32 $0xFFFFE003, lr  }
0x1b: {  	s9 =	sadd.s32 $0xFFFFFEF7, lr;
	s5 =	simm.s32 $0xFFFFFFFF;
	p2 =	slt.u32 s8, $0xFFFFF086  }
0x1c: {  	p1 =	slt.u32 s9, $0xF7A;
	s5 =	simm.s32 @!p2 $0x0  }
0x1d: {  	s5 =	simm.s32 @p1 $0x1;
	p0 =	seq.s32 s7, s2  }
0x1e: {  	s7 =	smul.u32 @!p0 $0xF7A, s2;
	p2 =	seq.s32 @!p0 s5, $0x0  }
0x1f: {  	s9 =	smul.u32 $0xF7A, s1;
	s8 =	simm.s32 @!p0 $0x1BF5;
	p2 =	por !p2, p0  }
0x20: {  	[sflag:s8] =	ssyncset.s32 @!p0 $0xFFFFF086;
	s6 =	sadd.s32 @!p0 s3, s7;
	s7 =	simm.s32 @!p0 $0x108  }
0x21: {  	s3 =	sadd.s32 s3, s9;
	s6 =	sadd.s32 @!p0 $0x88, s6;
	s7 =	simm.s32 @p2 $0x1082  }
0x22: {  	[simem:s7], [sflag:s8] =	dma.local @!p0 [hbm:s6], $0xF7A  }
0x23: {  	s9 =	sor.u32 $0xD0000000, s2;
	s6 =	simm.s32 $0x108;
	_ =	swait.ge @!p0 [sflag:s8], $0x0  }
0x24: {  	s3 =	sadd.s32 $0x88, s3;
	s6 =	simm.s32 @!p1 $0x1082;
	[sflag:s4] =	ssyncset.s32 $0xFFFFF086  }
0x25: {  	[simem:s6], [sflag:s4] =	dma.local [hbm:s3], $0xF7A  }
0x26: {  	[smem:$0x3F98] =	sst s1;
	(tag) =	ssettag s2;
	_ =	strace s9  }
0x27: {  	s1 =	sld [smem:$0x3FA8]  }
0x28: {  	s2 =	sld [smem:$0x3FA9]  }
0x29: {  	s4 =	sld [smem:$0x3FAB]  }
0x2a: {  	p0 =	seq.s32 s5, $0x0;
	s5 =	sld [smem:$0x3FAC]  }
0x2b: {  	s6 =	sld [smem:$0x3FAD]  }
0x2c: {  	s7 =	sld [smem:$0x3FAE]  }
0x2d: {  	s3 =	simm.s32 $0x108;
	s8 =	sld [smem:$0x3FAF]  }
0x2e: {  	s3 =	simm.s32 @!p0 $0x1082;
	s9 =	sld [smem:$0x3FB0]  }
0x2f: {  	lr =	sadd.s32 s0, s3;
	s0 =	sld [smem:$0x3FA7]  }
0x30: {  	s3 =	sld [smem:$0x3FAA]  }
0x31: {  	[smem:$0x3FB3] =	sst s10  }
0x32: {  	s10 =	sld [smem:$0x3FB1];
	_ =	sdelay $0x3  }
0x33: {  	p0 =	seq.s32 s10, $0x1;
	s10 =	sld [smem:$0x3FB3];
	_ =	sdelay $0x3  }
0x34: {  	[smem:$0x3FB3] =	sst s10  }
0x35: {  	s10 =	sld [smem:$0x3FB2];
	_ =	sdelay $0x3  }
0x36: {  	p1 =	seq.s32 s10, $0x1;
	s10 =	sld [smem:$0x3FB3];
	_ =	sdelay $0x3  }
0x37: {  	[smem:$0x3FB3] =	sst s10  }
0x38: {  	s10 =	sld [smem:$0x3FB4]  }
0x39: {  	_ = 	snop;
	(pc) =	sbr.ind lr, $3  }
0x3a: {  	_ = 	snop  }
0x3b: {  	_ = 	snop  }
0x3c: {  	p2 =	seq.s32 s10, $0x1;
	s10 =	sld [smem:$0x3FB3]  }
0x3d: {  	_ =	shalt  }
0x3e: {  	_ =	shalt  }
0x3f: {  	_ =	shalt  }
0x40: {  	_ =	shalt  }
0x41: {  	_ =	shalt  }
0x42: {  	_ =	shalt  }
0x43: {  	_ =	shalt  }
0x44: {  	_ =	shalt  }
0x45: {  	_ =	shalt  }
0x46: {  	_ =	shalt  }
0x47: {  	_ =	shalt  }
0x48: {  	_ =	shalt  }
0x49: {  	_ =	shalt  }
0x4a: {  	_ =	shalt  }
0x4b: {  	_ =	shalt  }
0x4c: {  	_ =	shalt  }
0x4d: {  	_ =	shalt  }
0x4e: {  	_ =	shalt  }
0x4f: {  	_ =	shalt  }
0x50: {  	_ =	shalt  }
0x51: {  	_ =	shalt  }
0x52: {  	_ =	shalt  }
0x53: {  	_ =	shalt  }
0x54: {  	_ =	shalt  }
0x55: {  	_ =	shalt  }
0x56: {  	_ =	shalt  }
0x57: {  	_ =	shalt  }
0x58: {  	_ =	shalt  }
0x59: {  	_ =	shalt  }
0x5a: {  	_ =	shalt  }
0x5b: {  	_ =	shalt  }
0x5c: {  	_ =	shalt  }
0x5d: {  	_ =	shalt  }
0x5e: {  	_ =	shalt  }
0x5f: {  	_ =	shalt  }
0x60: {  	_ =	shalt  }
0x61: {  	_ =	shalt  }
0x62: {  	_ =	shalt  }
0x63: {  	_ =	shalt  }
0x64: {  	_ =	shalt  }
0x65: {  	_ =	shalt  }
0x66: {  	_ =	shalt  }
0x67: {  	_ =	shalt  }
0x68: {  	_ =	shalt  }
0x69: {  	_ =	shalt  }
0x6a: {  	_ =	shalt  }
0x6b: {  	_ =	shalt  }
0x6c: {  	_ =	shalt  }
0x6d: {  	_ =	shalt  }
0x6e: {  	_ =	shalt  }
0x6f: {  	_ =	shalt  }
0x70: {  	_ =	shalt  }
0x71: {  	_ =	shalt  }
0x72: {  	_ =	shalt  }
0x73: {  	_ =	shalt  }
0x74: {  	_ =	shalt  }
0x75: {  	_ =	shalt  }
0x76: {  	_ =	shalt  }
0x77: {  	_ =	shalt  }
0x78: {  	_ =	shalt  }
0x79: {  	_ =	shalt  }
0x7a: {  	_ =	shalt  }
0x7b: {  	_ =	shalt  }
0x7c: {  	_ =	shalt  }
0x7d: {  	_ =	shalt  }
0x7e: {  	_ =	shalt  }
0x7f: {  	_ =	shalt  }
0x80: {  	_ =	shalt  }
0x81: {  	_ =	shalt  }
0x82: {  	_ =	shalt  }
0x83: {  	_ =	shalt  }
0x84: {  	_ =	shalt  }
0x85: {  	_ =	shalt  }
0x86: {  	_ =	shalt  }
0x87: {  	_ =	shalt  }
.Lfunc_end0:
.L_simem_size_0:
called_computation.1_lowered:
.L_overlay_start_0:
0x88: {  	s2 =	sld [smem:$0x3FD9]  }
0x89: {  	s3 =	sld [smem:$0x3FFE];
	_ =	sdelay $0x1  }
0x8a: {  	s1 =	srdreg.scid  }
0x8b: {  	s0 =	sand.u32 $0x1, s1  }
0x8c: {  	s17 =	sshll.u32 s0, $0xA;
	s2 =	sadd.s32 s3, s2  }
0x8d: {  	s2 =	sadd.s32 s2, s17  }
0x8e: {  	[smem:$0x3FBF] =	sst s2  }
0x8f: {  	_ = 	snop  }
0x90: {  	s2 =	sld [smem:$0x3FC4]  }
0x91: {  	s18 =	sld [smem:$0x3FC2];
	(tm) =	ssettm $0x1  }
0x92: {  	s4 =	sld [smem:$0x3FFB];
	_ =	sdelay $0x3  }
0x93: {  	_ =	strace s4  }
0x94: {  	s4 =	sld [smem:$0x3FFC];
	_ =	sdelay $0x3  }
0x95: {  	_ =	strace s4  }
0x96: {  	s4 =	sld [smem:$0x3FFD];
	_ =	sdelay $0x3  }
0x97: {  	_ =	strace s4  }
0x98: {  	_ =	strace $0x8FFFFFFF  }
0x99: {  	s19 =	sld [smem:$0x3FDB];
	_ =	sdelay $0x1  }
0x9a: {  	s5 =	simm.s32 $_scs_section_size  }
0x9b: {  	s6 =	simm.s32 $_size__tile_overlayer_lowered;
	s7 =	simm.s32 $_tile_overlayer_lowered  }
0x9c: {  	s22 =	simm.s32 $0x1BFF;
	s21 =	sshll.u32 s7, $0x1;
	s4 =	sadd.s32 s5, s19  }
0x9d: {  	s8 =	simm.s32 $0x0;
	s20 =	sshll.u32 s6, $0x1;
	s6 =	sadd.s32 s21, s4  }
0x9e: {  	[timem:s8], [sflag:s22] =	dma.local [hbm:s6], s20  }
0x9f: {  	_ =	swait.ge [sflag:s22], s20  }
0xa0: {  	s5 =	ssub.s32 $0x0, s20;
	[sflag:s22] =	ssyncset.done $0x0  }
0xa1: {  	[sflag:s22] =	ssyncadd.s32 s5;
	_ =	sdelay $0x1  }
0xa2: {  	s23 =	simm.s32 $0x1B8B  }
0xa3: {  	_ =	swait.ge [sflag:s23], $0x1  }
0xa4: {  	[sflag:s23] =	ssyncset.done $0x0  }
0xa5: {  	s25 =	simm.s32 $0x1B8E;
	s24 =	sld [smem:$0x3FFE];
	[sflag:s23] =	ssyncadd.s32 $0xFFFFFFFF  }
0xa6: {  	s26 =	simm.s32 $execute0_lowered;
	[smem:$0x3FD2] =	sst s25  }
0xa7: {  	s6 =	sshll.u32 s26, $0x1;
	_ =	strace $0x80000046;
	[dreg:$0x1] =	wrdreg $0xFFFFFFFF  }
0xa8: {  	s28 =	simm.s32 $_size_execute0_lowered;
	s4 =	sadd.s32 s4, s6;
	[dreg:$0x0] =	wrdreg $0x0  }
0xa9: {  	s6 =	sshll.u32 s28, $0x1;
	[dreg:$0x2] =	wrdreg s4  }
0xaa: {  	[dreg:$0x3] =	wrdreg s6  }
0xab: {  	[dreg:$0x4] =	wrdreg $0xC0  }
0xac: {  	_ =	task [dreg:s8], $0x5FFFF  }
0xad: {  	[dreg:$0x1] =	wrdreg $0xFFFFFFFF  }
0xae: {  	[dreg:$0x0] =	wrdreg $0x60  }
0xaf: {  	[dreg:$0x2] =	wrdreg s24  }
0xb0: {  	[dreg:$0x3] =	wrdreg s18  }
0xb1: {  	[dreg:$0x4] =	wrdreg s2  }
0xb2: {  	[dreg:$0x5] =	wrdreg $0xA  }
0xb3: {  	_ =	task.clear_ibuf [dreg:s8], $0x6FFFF;
	_ =	strace $0x90000046  }
0xb4: {  	s29 =	simm.s32 $0xA;
	_ =	strace $0x80000048  }
0xb5: {  	_ =	swait.ge [sflag:s29], $0x1  }
0xb6: {  	[sflag:s29] =	ssyncadd.s32 $0xFFFFFFFF  }
0xb7: {  	_ =	strace $0x90000048  }
0xb8: {  	_ =	sfence  }
0xb9: {  	s30 =	sld [smem:$0x0];
	_ =	sdelay $0x2  }
0xba: {  	s31 =	sshll.u32 s1, $0xD;
	s1 =	sshrl.u32 s1, $0x2  }
0xbb: {  	s3 =	sand.u32 $0x4000, s31;
	s1 =	sadd.s32 s1, s30  }
0xbc: {  	s0 =	sor.u32 s3, s0;
	s1 =	sshll.u32 s1, $0x11  }
0xbd: {  	s0 =	sor.u32 s1, s0  }
0xbe: {  	s0 =	sadd.s32 $0x8F2B, s0  }
0xbf: {  	[sflag:s0] =	ssyncadd.remote.s32 $0x1  }
0xc0: {  	_ =	sfence.sel $0xFFFF  }
0xc1: {  	[dreg:$0x0] =	wrdreg $0xFFFFFFFF;
	(pc) =	sbr.abs _section_cstart, $3  }
0xc2: {  	[dreg:$0x1] =	wrdreg $0xFFFFFFFF  }
0xc3: {  	_ =	task.clear_ibuf [dreg:s8], $0x2FFFF;
	_ =	strace $0x9FFFFFFF  }
0xc4: {  	(tm) =	ssettm $0x7FFFFFFF  }
0xc5: {  	_ =	shalt  }
tec
execute0_lowered:
.L_overlay_start_1:
0x0: {  	(tag) =	ssettag $0x1  }
0x1: {  	s0 =	rddreg [dreg:$0x0];
	s3 =	simm.s32 $0x0  }
0x2: {  	s1 =	srdreg.scid;
	s5 =	stileid.u32;
	s14 =	simm.s32 $0x2800  }
0x3: {  	s15 =	simm.s32 $0x2;
	s16 =	simm.s32 $0x4F80;
	s17 =	simm.s32 $0x7700  }
0x4: {  	s19 =	simm.s32 $0x80;
	s28 =	simm.s32 $0x2600;
	s29 =	simm.s32 $0x1680  }
0x5: {  	s30 =	simm.s32 $0x2680;
	s31 =	simm.s32 $0x1700;
	s13 =	simm.s32 $0x9E80  }
0x6: {  	s18 =	simm.s32 $0xA680;
	s20 =	simm.s32 $0xAE80;
	s22 =	simm.s32 $0x0  }
0x7: {  	[smem:$0x7FF] =	sst s3;
	s4 =	sadd.s32 $0x29200, s0;
	s6 =	sadd.s32 $0x64DE00, s0  }
0x8: {  	s7 =	sadd.s32 $0x644000, s0;
	s2 =	sadd.s32 $0x643A00, s0;
	s1 =	sand.u32 $0x1, s1  }
0x9: {  	s9 =	sadd.s32 $0x657C00, s0;
	s5 =	sshll.u32 s5, $0x1;
	s10 =	sadd.s32 $0x661A00, s0  }
0xa: {  	s11 =	sadd.s32 $0x66B800, s0;
	_ =	strace $0x80000047;
	s25 =	ssub.s32 $0x2, s1  }
0xb: {  	[dreg:$0x4] =	wrdreg s2;
	s1 =	sor.u32 s1, s5;
	s8 =	sshrl.u32 s25, $0x1  }
0xc: {  	s5 =	simm.s32 $0x50;
	s2 =	simm.s32 $0x2780;
	s26 =	ssub.s32 s25, s8  }
0xd: {  	s12 =	smul.u32 $0x2710, s1;
	s1 =	simm.s32 $0x1780;
	s0 =	smax.u32 s26, $0x1  }
0xe: {  	v0 =	vimm.f32 $0.0e+00;
	s8 =	simm.s32 $0x1;
	[dreg:$0x5] =	wrdreg s0;
	s0 =	simm.s32 $0x2700  }
.LBB2_1:
0xf: {  	[dreg:$0x6] =	wrdreg s22  }
0x10: {  	s21 =	rddreg [dreg:$0x4]  }
0x11: {  	[tilespmem:s14], [sflag:$0x2] =	stream.linear.gather [hbm4b:s21+s3], $0x2780, $0x38;
	[tilespmem:$0xB680] =	vst v63  }
0x12: {  	_ =	swait.ge [sflag:s15], $0x2780  }
0x13: {  	[sflag:s15] =	ssyncset.done $0x0  }
0x14: {  	[sflag:s15] =	ssyncadd.s32 $0xFFFFD880  }
0x15: {  	s25 =	rddreg [dreg:$0x1]  }
0x16: {  	[tilespmem:s16], [sflag:$0x2] =	stream.linear.gather [hbm4b:s25+s3], $0x2780, $0x38;
	[tilespmem:$0xB680] =	vst v63  }
0x17: {  	_ =	swait.ge [sflag:s15], $0x2780  }
0x18: {  	[sflag:s15] =	ssyncset.done $0x0  }
0x19: {  	[sflag:s15] =	ssyncadd.s32 $0xFFFFD880  }
0x1a: {  	s26 =	rddreg [dreg:$0x2]  }
0x1b: {  	[tilespmem:s17], [sflag:$0x2] =	stream.linear.gather [hbm4b:s26+s3], $0x2780, $0x38;
	[tilespmem:$0xB680] =	vst v63  }
0x1c: {  	_ =	swait.ge [sflag:s15], $0x2780  }
0x1d: {  	[sflag:s15] =	ssyncset.done $0x0  }
0x1e: {  	s21 =	simm.s32 $0x0;
	[sflag:s15] =	ssyncadd.s32 $0xFFFFD880  }
.LBB2_2:
0x1f: {  	s22 =	smul.u32 $0x7D0, s21;
	_ =	sdelay $0x1  }
0x20: {  	s22 =	sadd.s32 s12, s22  }
0x21: {  	s22 =	sshrl.u32 s22, $0x3  }
0x22: {  	s24 =	simm.s32 $0x0;
	s23 =	sadd.s32 s6, s22  }
0x23: {  	[tilespmem:s24], [sflag:$0x2] =	stream.linear.gather [hbm4b:s23+s24], $0x7D0, $0x38;
	[tilespmem:$0xB680] =	vst v63  }
0x24: {  	_ =	swait.ge [sflag:s15], $0x7D0  }
0x25: {  	[sflag:s15] =	ssyncset.done $0x0  }
0x26: {  	s25 =	simm.s32 $0x800;
	s26 =	sadd.s32 s7, s22;
	[sflag:s15] =	ssyncadd.s32 $0xFFFFF830  }
0x27: {  	[tilespmem:s25], [sflag:$0x2] =	stream.linear.gather [hbm4b:s26+s24], $0x7D0, $0x38;
	[tilespmem:$0xB680] =	vst v63  }
0x28: {  	_ =	swait.ge [sflag:s15], $0x7D0  }
0x29: {  	[sflag:s15] =	ssyncset.done $0x0  }
0x2a: {  	s23 =	simm.s32 $0x0;
	[sflag:s15] =	ssyncadd.s32 $0xFFFFF830  }
0x2b: {  	v3 =	vld [tilespmem:s23+$0x0]  }
0x2c: {  	v4 =	vld [tilespmem:s23+$0x800];
	_ =	sdelay $0x4  }
0x2d: {  	vm0 =	vgt.s32 v3, v4  }
0x2e: {  	v1 =	vsel vm0, v4, v3  }
0x2f: {  	v2 =	vsel vm0, v3, v4;
	v1 =	vmul.u32 $0x1400, v1  }
0x30: {  	v5 =	vshrl.u32 v2, $0x1;
	v6 =	vand.u32 $0x3FF, v2  }
0x31: {  	v5 =	vand.u32 $0x7FFFFC00, v5;
	v1 =	vor.u32 v6, v1  }
0x32: {  	v2 =	vshrl.u32 v2, $0x6;
	v1 =	vadd.s32 v5, v1  }
0x33: {  	[tilespmem:s23+$0x1000] =	vst v1;
	v1 =	vand.u32 $0x10, v2  }
0x34: {  	[tilespmem:s23+$0x1800] =	vst v1  }
0x35: {  	v1 =	vld.idx.msk [tilespmem:v3+s16+$0x0], $0xffff  }
0x36: {  	v2 =	vld.idx.msk [tilespmem:v4+s16+$0x0], $0xffff;
	_ =	sdelay $0x4  }
0x37: {  	v1 =	vsub.f32 v1, v2;
	_ =	sdelay $0x1  }
0x38: {  	v1 =	vand.u32 $0x7FFFFFFF, v1  }
0x39: {  	[tilespmem:s23+$0xA680] =	vst v1  }
0x3a: {  	v5 =	vld.idx.msk [tilespmem:v3+s17+$0x0], $0xffff  }
0x3b: {  	v6 =	vld.idx.msk [tilespmem:v4+s17+$0x0], $0xffff  }
0x3c: {  	s24 =	simm.s32 $0x10  }
0x3d: {  	v1 =	vld [tilespmem:s24+$0x0]  }
0x3e: {  	v2 =	vld [tilespmem:s24+$0x800];
	_ =	sdelay $0x1  }
0x3f: {  	vm14 =	veq.s32 v5, v6  }
0x40: {  	v5 =	vsel vm14, $0x3F800000, v0  }
0x41: {  	[tilespmem:s23+$0xAE80] =	vst v5  }
0x42: {  	vm15 =	vgt.s32 v1, v2;
	v3 =	vld.idx.msk [tilespmem:v3+s14+$0x0], $0xffff  }
0x43: {  	s25 =	simm.s32 $0x80;
	v6 =	vsel vm15, v2, v1;
	v5 =	vsel vm15, v1, v2;
	v4 =	vld.idx.msk [tilespmem:v4+s14+$0x0], $0xffff  }
.LBB2_3:
0x44: {  	p0 =	sne.s32 s25, $0x1F00;
	v7 =	vshrl.u32 v5, $0x1;
	v8 =	vand.u32 $0x3FF, v5;
	v6 =	vmul.u32 $0x1400, v6;
	s26 =	smov.u32 s25;
	s25 =	sadd.s32 $0x40, s25  }
0x45: {  	v7 =	vand.u32 $0x7FFFFC00, v7  }
0x46: {  	v6 =	vor.u32 v8, v6  }
0x47: {  	v5 =	vshrl.u32 v5, $0x6;
	v6 =	vadd.s32 v7, v6  }
0x48: {  	v5 =	vand.u32 $0x10, v5;
	v3 =	vadd.f32 v4, v3;
	[tilespmem:s24+$0x1000] =	vst v6  }
0x49: {  	[tilespmem:s24+$0x1800] =	vst v5  }
0x4a: {  	[tilespmem:s23+$0x9E80] =	vst v3;
	s23 =	smov.u32 s24  }
0x4b: {  	v3 =	vld.idx.msk [tilespmem:v1+s16+$0x0], $0xffff  }
0x4c: {  	v4 =	vld.idx.msk [tilespmem:v2+s16+$0x0], $0xffff;
	_ =	sdelay $0x5  }
0x4d: {  	v3 =	vsub.f32 v3, v4;
	_ =	sdelay $0x1  }
0x4e: {  	v3 =	vand.u32 $0x7FFFFFFF, v3  }
0x4f: {  	[tilespmem:s23+$0xA680] =	vst v3  }
0x50: {  	v3 =	vld.idx.msk [tilespmem:v1+s17+$0x0], $0xffff  }
0x51: {  	v4 =	vld.idx.msk [tilespmem:v2+s17+$0x0], $0xffff;
	_ =	sdelay $0x2  }
0x52: {  	s24 =	sshra.s32 s26, $0x2  }
0x53: {  	v5 =	vld [tilespmem:s24+$0x0]  }
0x54: {  	v6 =	vld [tilespmem:s24+$0x800]  }
0x55: {  	vm0 =	veq.s32 v3, v4  }
.Ltmp0:
0x56: {  	v3 =	vsel vm0, $0x3F800000, v0;
	(pc) =	sbr.rel @p0 .LBB2_3-.Ltmp0, $4  }
0x57: {  	[tilespmem:s23+$0xAE80] =	vst v3  }
0x58: {  	v3 =	vld.idx.msk [tilespmem:v1+s14+$0x0], $0xffff;
	v1 =	vmov v5  }
0x59: {  	vm0 =	vgt.s32 v1, v6;
	v4 =	vld.idx.msk [tilespmem:v2+s14+$0x0], $0xffff;
	v2 =	vmov v6  }
0x5a: {  	v6 =	vsel vm0, v2, v1;
	v5 =	vsel vm0, v1, v2  }
0x5b: {  	v6 =	vmul.u32 $0x1400, v6  }
0x5c: {  	v7 =	vshrl.u32 v5, $0x1;
	v8 =	vand.u32 $0x3FF, v5;
	v5 =	vshrl.u32 v5, $0x6  }
0x5d: {  	v7 =	vand.u32 $0x7FFFFC00, v7;
	v5 =	vand.u32 $0x10, v5;
	v6 =	vor.u32 v8, v6  }
0x5e: {  	[tilespmem:s24+$0x1800] =	vst v5;
	v6 =	vadd.s32 v7, v6;
	v3 =	vadd.f32 v4, v3  }
0x5f: {  	[tilespmem:s24+$0x1000] =	vst v6  }
0x60: {  	[tilespmem:s23+$0x9E80] =	vst v3  }
0x61: {  	v3 =	vld.idx.msk [tilespmem:v1+s16+$0x0], $0xffff  }
0x62: {  	v4 =	vld.idx.msk [tilespmem:v2+s16+$0x0], $0xffff;
	_ =	sdelay $0x4  }
0x63: {  	v3 =	vsub.f32 v3, v4;
	_ =	sdelay $0x1  }
0x64: {  	v3 =	vand.u32 $0x7FFFFFFF, v3  }
0x65: {  	[tilespmem:s24+$0xA680] =	vst v3  }
0x66: {  	v3 =	vld.idx.msk [tilespmem:v1+s17+$0x0], $0xffff  }
0x67: {  	v4 =	vld.idx.msk [tilespmem:v2+s17+$0x0], $0xffff;
	_ =	sdelay $0x4  }
0x68: {  	vm0 =	veq.s32 v3, v4  }
0x69: {  	v3 =	vsel vm0, $0x3F800000, v0  }
0x6a: {  	[tilespmem:s24+$0xAE80] =	vst v3  }
0x6b: {  	v1 =	vld.idx.msk [tilespmem:v1+s14+$0x0], $0xffff  }
0x6c: {  	v2 =	vld.idx.msk [tilespmem:v2+s14+$0x0], $0xffff;
	_ =	sdelay $0x4  }
0x6d: {  	v1 =	vadd.f32 v2, v1;
	_ =	sdelay $0x1  }
0x6e: {  	s25 =	simm.s32 $0x1000;
	s26 =	simm.s32 $0x2000;
	[tilespmem:s24+$0x9E80] =	vst v1  }
0x6f: {  	[tilespmem:s26], [sflag:$0x1] =	stream.indirect.gather [hbm4b:s4+s19], $0x1, s25, s19, $0xb8;
	[tilespmem:$0xB680] =	vst v63  }
0x70: {  	s25 =	simm.s32 $0x1080;
	s26 =	simm.s32 $0x2080  }
0x71: {  	[tilespmem:s26], [sflag:$0x1] =	stream.indirect.gather [hbm4b:s4+s19], $0x1, s25, s19, $0xb8;
	[tilespmem:$0xB680] =	vst v63  }
0x72: {  	s25 =	simm.s32 $0x1100;
	s26 =	simm.s32 $0x2100  }
0x73: {  	[tilespmem:s26], [sflag:$0x1] =	stream.indirect.gather [hbm4b:s4+s19], $0x1, s25, s19, $0xb8;
	[tilespmem:$0xB680] =	vst v63  }
0x74: {  	s25 =	simm.s32 $0x1180;
	s26 =	simm.s32 $0x2180  }
0x75: {  	[tilespmem:s26], [sflag:$0x1] =	stream.indirect.gather [hbm4b:s4+s19], $0x1, s25, s19, $0xb8;
	[tilespmem:$0xB680] =	vst v63  }
0x76: {  	s25 =	simm.s32 $0x1200;
	s26 =	simm.s32 $0x2200  }
0x77: {  	[tilespmem:s26], [sflag:$0x1] =	stream.indirect.gather [hbm4b:s4+s19], $0x1, s25, s19, $0xb8;
	[tilespmem:$0xB680] =	vst v63  }
0x78: {  	s25 =	simm.s32 $0x1280;
	s26 =	simm.s32 $0x2280  }
0x79: {  	[tilespmem:s26], [sflag:$0x1] =	stream.indirect.gather [hbm4b:s4+s19], $0x1, s25, s19, $0xb8;
	[tilespmem:$0xB680] =	vst v63  }
0x7a: {  	s25 =	simm.s32 $0x1300;
	s26 =	simm.s32 $0x2300  }
0x7b: {  	[tilespmem:s26], [sflag:$0x1] =	stream.indirect.gather [hbm4b:s4+s19], $0x1, s25, s19, $0xb8;
	[tilespmem:$0xB680] =	vst v63  }
0x7c: {  	s25 =	simm.s32 $0x1380;
	s26 =	simm.s32 $0x2380  }
0x7d: {  	[tilespmem:s26], [sflag:$0x1] =	stream.indirect.gather [hbm4b:s4+s19], $0x1, s25, s19, $0xb8;
	[tilespmem:$0xB680] =	vst v63  }
0x7e: {  	s25 =	simm.s32 $0x1400;
	s26 =	simm.s32 $0x2400  }
0x7f: {  	[tilespmem:s26], [sflag:$0x1] =	stream.indirect.gather [hbm4b:s4+s19], $0x1, s25, s19, $0xb8;
	[tilespmem:$0xB680] =	vst v63  }
0x80: {  	s25 =	simm.s32 $0x1480;
	s26 =	simm.s32 $0x2480  }
0x81: {  	[tilespmem:s26], [sflag:$0x1] =	stream.indirect.gather [hbm4b:s4+s19], $0x1, s25, s19, $0xb8;
	[tilespmem:$0xB680] =	vst v63  }
0x82: {  	s25 =	simm.s32 $0x1500;
	s26 =	simm.s32 $0x2500  }
0x83: {  	[tilespmem:s26], [sflag:$0x1] =	stream.indirect.gather [hbm4b:s4+s19], $0x1, s25, s19, $0xb8;
	[tilespmem:$0xB680] =	vst v63  }
0x84: {  	s24 =	simm.s32 $0x1580;
	s25 =	simm.s32 $0x2580  }
0x85: {  	[tilespmem:s25], [sflag:$0x1] =	stream.indirect.gather [hbm4b:s4+s19], $0x1, s24, s19, $0xb8;
	[tilespmem:$0xB680] =	vst v63  }
0x86: {  	s26 =	simm.s32 $0x1600  }
0x87: {  	[tilespmem:s28], [sflag:$0x1] =	stream.indirect.gather [hbm4b:s4+s19], $0x1, s26, s19, $0xb8;
	[tilespmem:$0xB680] =	vst v63  }
0x88: {  	_ = 	snop  }
0x89: {  	[tilespmem:s30], [sflag:$0x1] =	stream.indirect.gather [hbm4b:s4+s19], $0x1, s29, s19, $0xb8;
	[tilespmem:$0xB680] =	vst v63  }
0x8a: {  	_ = 	snop  }
0x8b: {  	[tilespmem:s0], [sflag:$0x1] =	stream.indirect.gather [hbm4b:s4+s19], $0x1, s31, s19, $0xb8;
	[tilespmem:$0xB680] =	vst v63  }
0x8c: {  	_ = 	snop  }
0x8d: {  	[tilespmem:s2], [sflag:$0x1] =	stream.indirect.gather [hbm4b:s4+s5], $0x1, s1, s5, $0xb8;
	[tilespmem:$0xB680] =	vst v63  }
0x8e: {  	_ =	swait.ge [sflag:s8], $0x80  }
0x8f: {  	[sflag:s8] =	ssyncset.done $0x0  }
0x90: {  	[sflag:s8] =	ssyncadd.s32 $0xFFFFFF80  }
0x91: {  	_ =	swait.ge [sflag:s8], $0x80  }
0x92: {  	[sflag:s8] =	ssyncset.done $0x0  }
0x93: {  	[sflag:s8] =	ssyncadd.s32 $0xFFFFFF80  }
0x94: {  	_ =	swait.ge [sflag:s8], $0x80  }
0x95: {  	[sflag:s8] =	ssyncset.done $0x0  }
0x96: {  	[sflag:s8] =	ssyncadd.s32 $0xFFFFFF80  }
0x97: {  	_ =	swait.ge [sflag:s8], $0x80  }
0x98: {  	[sflag:s8] =	ssyncset.done $0x0  }
0x99: {  	[sflag:s8] =	ssyncadd.s32 $0xFFFFFF80  }
0x9a: {  	_ =	swait.ge [sflag:s8], $0x80  }
0x9b: {  	[sflag:s8] =	ssyncset.done $0x0  }
0x9c: {  	[sflag:s8] =	ssyncadd.s32 $0xFFFFFF80  }
0x9d: {  	_ =	swait.ge [sflag:s8], $0x80  }
0x9e: {  	[sflag:s8] =	ssyncset.done $0x0  }
0x9f: {  	[sflag:s8] =	ssyncadd.s32 $0xFFFFFF80  }
0xa0: {  	_ =	swait.ge [sflag:s8], $0x80  }
0xa1: {  	[sflag:s8] =	ssyncset.done $0x0  }
0xa2: {  	[sflag:s8] =	ssyncadd.s32 $0xFFFFFF80  }
0xa3: {  	_ =	swait.ge [sflag:s8], $0x80  }
0xa4: {  	[sflag:s8] =	ssyncset.done $0x0  }
0xa5: {  	[sflag:s8] =	ssyncadd.s32 $0xFFFFFF80  }
0xa6: {  	_ =	swait.ge [sflag:s8], $0x80  }
0xa7: {  	[sflag:s8] =	ssyncset.done $0x0  }
0xa8: {  	[sflag:s8] =	ssyncadd.s32 $0xFFFFFF80  }
0xa9: {  	_ =	swait.ge [sflag:s8], $0x80  }
0xaa: {  	[sflag:s8] =	ssyncset.done $0x0  }
0xab: {  	[sflag:s8] =	ssyncadd.s32 $0xFFFFFF80  }
0xac: {  	_ =	swait.ge [sflag:s8], $0x80  }
0xad: {  	[sflag:s8] =	ssyncset.done $0x0  }
0xae: {  	[sflag:s8] =	ssyncadd.s32 $0xFFFFFF80  }
0xaf: {  	_ =	swait.ge [sflag:s8], $0x80  }
0xb0: {  	[sflag:s8] =	ssyncset.done $0x0  }
0xb1: {  	[sflag:s8] =	ssyncadd.s32 $0xFFFFFF80  }
0xb2: {  	_ =	swait.ge [sflag:s8], $0x80  }
0xb3: {  	[sflag:s8] =	ssyncset.done $0x0  }
0xb4: {  	[sflag:s8] =	ssyncadd.s32 $0xFFFFFF80  }
0xb5: {  	_ =	swait.ge [sflag:s8], $0x80  }
0xb6: {  	[sflag:s8] =	ssyncset.done $0x0  }
0xb7: {  	[sflag:s8] =	ssyncadd.s32 $0xFFFFFF80  }
0xb8: {  	_ =	swait.ge [sflag:s8], $0x80  }
0xb9: {  	[sflag:s8] =	ssyncset.done $0x0  }
0xba: {  	[sflag:s8] =	ssyncadd.s32 $0xFFFFFF80  }
0xbb: {  	_ =	swait.ge [sflag:s8], $0x50  }
0xbc: {  	[sflag:s8] =	ssyncset.done $0x0  }
0xbd: {  	s23 =	simm.s32 $0x0;
	[sflag:s8] =	ssyncadd.s32 $0xFFFFFFB0  }
0xbe: {  	v1 =	vld [tilespmem:s23+$0x2000]  }
0xbf: {  	v2 =	vld [tilespmem:s23+$0x1800];
	_ =	sdelay $0x4  }
0xc0: {  	v1 =	vshrl.u32 v1, v2;
	v2 =	vld [tilespmem:s23+$0x9E80];
	_ =	sdelay $0x1  }
0xc1: {  	v1 =	vshll.u32 v1, $0x10  }
0xc2: {  	s24 =	simm.s32 $0x10;
	v3 =	vadd.f32 v1, v1  }
0xc3: {  	s25 =	simm.s32 $0x80;
	v1 =	vld [tilespmem:s24+$0x2000]  }
.LBB2_5:
0xc4: {  	p0 =	sne.s32 s25, $0x1F00;
	v4 =	vld [tilespmem:s24+$0x1800];
	v2 =	vsub.f32 v2, v3;
	_ =	sdelay $0x1  }
0xc5: {  	v2 =	vmax.f32 v2, $0.0e+00  }
0xc6: {  	[tilespmem:s23+$0x9E80] =	vst v2;
	s23 =	smov.u32 s24  }
.Ltmp1:
0xc7: {  	v2 =	vld [tilespmem:s23+$0x9E80];
	(pc) =	sbr.rel @p0 .LBB2_5-.Ltmp1, $4  }
0xc8: {  	v1 =	vshrl.u32 v1, v4  }
0xc9: {  	v1 =	vshll.u32 v1, $0x10  }
0xca: {  	s24 =	sshra.s32 s25, $0x2;
	v3 =	vadd.f32 v1, v1  }
0xcb: {  	s25 =	sadd.s32 $0x40, s25;
	v1 =	vld [tilespmem:s24+$0x2000]  }
0xcc: {  	v4 =	vld [tilespmem:s24+$0x1800];
	v2 =	vsub.f32 v2, v3;
	_ =	sdelay $0x1  }
0xcd: {  	v2 =	vmax.f32 v2, $0.0e+00  }
0xce: {  	[tilespmem:s23+$0x9E80] =	vst v2  }
0xcf: {  	v2 =	vld [tilespmem:s24+$0x9E80]  }
0xd0: {  	v1 =	vshrl.u32 v1, v4  }
0xd1: {  	v1 =	vshll.u32 v1, $0x10  }
0xd2: {  	v1 =	vadd.f32 v1, v1;
	_ =	sdelay $0x1  }
0xd3: {  	v1 =	vsub.f32 v2, v1;
	_ =	sdelay $0x1  }
0xd4: {  	v1 =	vmax.f32 v1, $0.0e+00  }
0xd5: {  	[tilespmem:s24+$0x9E80] =	vst v1;
	s24 =	sadd.s32 s9, s22  }
0xd6: {  	[hbm4b:s24+s3] =	stream.linear.scatter [tilespmem:s13], [sflag:$0x2], $0x7D0, $0x38;
	[tilespmem:$0xB680] =	vst v63  }
0xd7: {  	_ =	swait.ge [sflag:s15], $0x7D0  }
0xd8: {  	[sflag:s15] =	ssyncset.done $0x0  }
0xd9: {  	s25 =	sadd.s32 s10, s22;
	[sflag:s15] =	ssyncadd.s32 $0xFFFFF830  }
0xda: {  	[hbm4b:s25+s3] =	stream.linear.scatter [tilespmem:s18], [sflag:$0x2], $0x7D0, $0x38;
	[tilespmem:$0xB680] =	vst v63  }
0xdb: {  	s21 =	sadd.s32 $0x1, s21;
	_ =	swait.ge [sflag:s15], $0x7D0  }
0xdc: {  	p0 =	sne.s32 s21, $0x5;
	[sflag:s15] =	ssyncset.done $0x0  }
.Ltmp2:
0xdd: {  	s26 =	sadd.s32 s11, s22;
	[sflag:s15] =	ssyncadd.s32 $0xFFFFF830;
	(pc) =	sbr.rel @p0 .LBB2_2-.Ltmp2, $4  }
0xde: {  	[hbm4b:s26+s3] =	stream.linear.scatter [tilespmem:s20], [sflag:$0x2], $0x7D0, $0x38;
	[tilespmem:$0xB680] =	vst v63  }
0xdf: {  	_ =	swait.ge [sflag:s15], $0x7D0  }
0xe0: {  	[sflag:s15] =	ssyncset.done $0x0  }
0xe1: {  	[sflag:s15] =	ssyncadd.s32 $0xFFFFF830  }
0xe2: {  	s22 =	rddreg [dreg:$0x6]  }
0xe3: {  	s21 =	rddreg [dreg:$0x5];
	s22 =	sadd.s32 $0x1, s22  }
0xe4: {  	p0 =	sne.s32 s22, s21  }
.Ltmp3:
0xe5: {  	_ = 	snop;
	(pc) =	sbr.rel @p0 .LBB2_1-.Ltmp3, $1  }
0xe6: {  	_ =	sdelay $0x3  }
0xe7: {  	_ =	sfence.sel $0x180000  }
0xe8: {  	[bflag:$0x0] =	sbarrier.arrive $0xFFFF  }
0xe9: {  	_ =	strace $0x90000047  }
0xea: {  	s0 =	stileid.u32;
	[bflag:$0x2] =	sbarrier.arrive $0xFFFF  }
0xeb: {  	p0 =	sne.s32 s0, $0x0;
	s0 =	rddreg [dreg:$0x3]  }
0xec: {  	s0 =	sadd.s32 @!p0 $0x100000, s0  }
0xed: {  	[sflag:s0] =	ssyncadd.tile.s32 @!p0 $0x1;
	_ =	shalt  }
.Lfunc_end2:
_tile_overlayer_lowered:
.L_overlay_start_2:
0xee: {  	(tag) =	ssettag $0x2  }
0xef: {  	s0 =	rddreg [dreg:$0x0];
	s2 =	stileid.u32  }
0xf0: {  	s1 =	rddreg [dreg:$0x1];
	p0 =	sne.s32 s2, $0x0  }
0xf1: {  	s3 =	rddreg [dreg:$0x2];
	[bflag:$0x3] =	sbarrier.arrive $0xFFFF;
	s2 =	simm.s32 @!p0 $0x1C02  }
0xf2: {  	[timem:s3], [sflag:s2] =	dma.local @!p0 [hbm:s0], s1  }
0xf3: {  	s0 =	simm.s32 @!p0 $0x2  }
0xf4: {  	_ =	swait.ge @!p0 [sflag:s0], s1  }
0xf5: {  	s1 =	ssub.s32 @!p0 $0x0, s1;
	[sflag:s0] =	ssyncset.done @!p0 $0x0  }
0xf6: {  	[sflag:s0] =	ssyncadd.s32 @!p0 s1  }
0xf7: {  	[bflag:$0x3] =	sbarrier.arrive $0xFFFF  }
0xf8: {  	_ =	shalt  }

// kernel: kernel.8.cloned.1.call-start
scs
__scs_entry_jumppad:
0x0: {  	(pc) =	sbr.rel $0x88, $3  }
0x1: {  	(tag) =	ssettag $0x0;
	lr =	simm.s32 $0x1  }
0x2: {  	[smem:$0x3F98] =	sst lr;
	_ =	strace $0xD0000000  }
0x3: {  	_ = 	snop  }
0x4: {  	_ = 	snop  }
0x5: {  	_ = 	snop  }
0x6: {  	_ = 	snop  }
0x7: {  	_ = 	snop  }
__scs_overlays_trampoline_lowered:
0x8: {  	[smem:$0x3FA7] =	sst s0  }
0x9: {  	[smem:$0x3FA8] =	sst s1  }
0xa: {  	[smem:$0x3FA9] =	sst s2  }
0xb: {  	[smem:$0x3FAA] =	sst s3  }
0xc: {  	[smem:$0x3FAB] =	sst s4  }
0xd: {  	[smem:$0x3FAC] =	sst s5  }
0xe: {  	[smem:$0x3FAD] =	sst s6  }
0xf: {  	[smem:$0x3FAE] =	sst s7  }
0x10: {  	[smem:$0x3FAF] =	sst s8  }
0x11: {  	[smem:$0x3FB0] =	sst s9;
	s0 =	simm.s32 @!p0 $0x0  }
0x12: {  	s1 =	sld [smem:$0x3F96];
	s0 =	simm.s32 @p0 $0x1  }
0x13: {  	[smem:$0x3FB1] =	sst s0;
	s0 =	simm.s32 @!p1 $0x0  }
0x14: {  	s2 =	sld [smem:$0x3F95];
	s0 =	simm.s32 @p1 $0x1  }
0x15: {  	[smem:$0x3FB2] =	sst s0;
	s0 =	simm.s32 @!p2 $0x0  }
0x16: {  	s3 =	sld [smem:$0x3FDB];
	s0 =	simm.s32 @p2 $0x1  }
0x17: {  	s4 =	simm.s32 $0x1BF5;
	[smem:$0x3FB4] =	sst s0  }
0x18: {  	s0 =	sld [smem:$0x3F97];
	_ =	swait.ge [sflag:s4], $0x0  }
0x19: {  	s7 =	sld [smem:$0x3F98]  }
0x1a: {  	s8 =	sadd.s32 $0xFFFFE003, lr  }
0x1b: {  	s9 =	sadd.s32 $0xFFFFFEF7, lr;
	s5 =	simm.s32 $0xFFFFFFFF;
	p2 =	slt.u32 s8, $0xFFFFF086  }
0x1c: {  	p1 =	slt.u32 s9, $0xF7A;
	s5 =	simm.s32 @!p2 $0x0  }
0x1d: {  	s5 =	simm.s32 @p1 $0x1;
	p0 =	seq.s32 s7, s2  }
0x1e: {  	s7 =	smul.u32 @!p0 $0xF7A, s2;
	p2 =	seq.s32 @!p0 s5, $0x0  }
0x1f: {  	s9 =	smul.u32 $0xF7A, s1;
	s8 =	simm.s32 @!p0 $0x1BF5;
	p2 =	por !p2, p0  }
0x20: {  	[sflag:s8] =	ssyncset.s32 @!p0 $0xFFFFF086;
	s6 =	sadd.s32 @!p0 s3, s7;
	s7 =	simm.s32 @!p0 $0x108  }
0x21: {  	s3 =	sadd.s32 s3, s9;
	s6 =	sadd.s32 @!p0 $0x88, s6;
	s7 =	simm.s32 @p2 $0x1082  }
0x22: {  	[simem:s7], [sflag:s8] =	dma.local @!p0 [hbm:s6], $0xF7A  }
0x23: {  	s9 =	sor.u32 $0xD0000000, s2;
	s6 =	simm.s32 $0x108;
	_ =	swait.ge @!p0 [sflag:s8], $0x0  }
0x24: {  	s3 =	sadd.s32 $0x88, s3;
	s6 =	simm.s32 @!p1 $0x1082;
	[sflag:s4] =	ssyncset.s32 $0xFFFFF086  }
0x25: {  	[simem:s6], [sflag:s4] =	dma.local [hbm:s3], $0xF7A  }
0x26: {  	[smem:$0x3F98] =	sst s1;
	(tag) =	ssettag s2;
	_ =	strace s9  }
0x27: {  	s1 =	sld [smem:$0x3FA8]  }
0x28: {  	s2 =	sld [smem:$0x3FA9]  }
0x29: {  	s4 =	sld [smem:$0x3FAB]  }
0x2a: {  	p0 =	seq.s32 s5, $0x0;
	s5 =	sld [smem:$0x3FAC]  }
0x2b: {  	s6 =	sld [smem:$0x3FAD]  }
0x2c: {  	s7 =	sld [smem:$0x3FAE]  }
0x2d: {  	s3 =	simm.s32 $0x108;
	s8 =	sld [smem:$0x3FAF]  }
0x2e: {  	s3 =	simm.s32 @!p0 $0x1082;
	s9 =	sld [smem:$0x3FB0]  }
0x2f: {  	lr =	sadd.s32 s0, s3;
	s0 =	sld [smem:$0x3FA7]  }
0x30: {  	s3 =	sld [smem:$0x3FAA]  }
0x31: {  	[smem:$0x3FB3] =	sst s10  }
0x32: {  	s10 =	sld [smem:$0x3FB1];
	_ =	sdelay $0x3  }
0x33: {  	p0 =	seq.s32 s10, $0x1;
	s10 =	sld [smem:$0x3FB3];
	_ =	sdelay $0x3  }
0x34: {  	[smem:$0x3FB3] =	sst s10  }
0x35: {  	s10 =	sld [smem:$0x3FB2];
	_ =	sdelay $0x3  }
0x36: {  	p1 =	seq.s32 s10, $0x1;
	s10 =	sld [smem:$0x3FB3];
	_ =	sdelay $0x3  }
0x37: {  	[smem:$0x3FB3] =	sst s10  }
0x38: {  	s10 =	sld [smem:$0x3FB4]  }
0x39: {  	_ = 	snop;
	(pc) =	sbr.ind lr, $3  }
0x3a: {  	_ = 	snop  }
0x3b: {  	_ = 	snop  }
0x3c: {  	p2 =	seq.s32 s10, $0x1;
	s10 =	sld [smem:$0x3FB3]  }
0x3d: {  	_ =	shalt  }
0x3e: {  	_ =	shalt  }
0x3f: {  	_ =	shalt  }
0x40: {  	_ =	shalt  }
0x41: {  	_ =	shalt  }
0x42: {  	_ =	shalt  }
0x43: {  	_ =	shalt  }
0x44: {  	_ =	shalt  }
0x45: {  	_ =	shalt  }
0x46: {  	_ =	shalt  }
0x47: {  	_ =	shalt  }
0x48: {  	_ =	shalt  }
0x49: {  	_ =	shalt  }
0x4a: {  	_ =	shalt  }
0x4b: {  	_ =	shalt  }
0x4c: {  	_ =	shalt  }
0x4d: {  	_ =	shalt  }
0x4e: {  	_ =	shalt  }
0x4f: {  	_ =	shalt  }
0x50: {  	_ =	shalt  }
0x51: {  	_ =	shalt  }
0x52: {  	_ =	shalt  }
0x53: {  	_ =	shalt  }
0x54: {  	_ =	shalt  }
0x55: {  	_ =	shalt  }
0x56: {  	_ =	shalt  }
0x57: {  	_ =	shalt  }
0x58: {  	_ =	shalt  }
0x59: {  	_ =	shalt  }
0x5a: {  	_ =	shalt  }
0x5b: {  	_ =	shalt  }
0x5c: {  	_ =	shalt  }
0x5d: {  	_ =	shalt  }
0x5e: {  	_ =	shalt  }
0x5f: {  	_ =	shalt  }
0x60: {  	_ =	shalt  }
0x61: {  	_ =	shalt  }
0x62: {  	_ =	shalt  }
0x63: {  	_ =	shalt  }
0x64: {  	_ =	shalt  }
0x65: {  	_ =	shalt  }
0x66: {  	_ =	shalt  }
0x67: {  	_ =	shalt  }
0x68: {  	_ =	shalt  }
0x69: {  	_ =	shalt  }
0x6a: {  	_ =	shalt  }
0x6b: {  	_ =	shalt  }
0x6c: {  	_ =	shalt  }
0x6d: {  	_ =	shalt  }
0x6e: {  	_ =	shalt  }
0x6f: {  	_ =	shalt  }
0x70: {  	_ =	shalt  }
0x71: {  	_ =	shalt  }
0x72: {  	_ =	shalt  }
0x73: {  	_ =	shalt  }
0x74: {  	_ =	shalt  }
0x75: {  	_ =	shalt  }
0x76: {  	_ =	shalt  }
0x77: {  	_ =	shalt  }
0x78: {  	_ =	shalt  }
0x79: {  	_ =	shalt  }
0x7a: {  	_ =	shalt  }
0x7b: {  	_ =	shalt  }
0x7c: {  	_ =	shalt  }
0x7d: {  	_ =	shalt  }
0x7e: {  	_ =	shalt  }
0x7f: {  	_ =	shalt  }
0x80: {  	_ =	shalt  }
0x81: {  	_ =	shalt  }
0x82: {  	_ =	shalt  }
0x83: {  	_ =	shalt  }
0x84: {  	_ =	shalt  }
0x85: {  	_ =	shalt  }
0x86: {  	_ =	shalt  }
0x87: {  	_ =	shalt  }
.Lfunc_end0:
.L_simem_size_0:
called_computation_lowered:
.L_overlay_start_0:
0x88: {  	s2 =	sld [smem:$0x3FD9]  }
0x89: {  	s3 =	sld [smem:$0x3FFE];
	_ =	sdelay $0x1  }
0x8a: {  	s1 =	srdreg.scid  }
0x8b: {  	s0 =	sand.u32 $0x1, s1  }
0x8c: {  	s17 =	sshll.u32 s0, $0xA;
	s2 =	sadd.s32 s3, s2  }
0x8d: {  	s2 =	sadd.s32 s2, s17  }
0x8e: {  	[smem:$0x3FBF] =	sst s2  }
0x8f: {  	_ = 	snop  }
0x90: {  	s18 =	sld [smem:$0x3FC5]  }
0x91: {  	s4 =	sld [smem:$0x3FC3];
	(tm) =	ssettm $0x1  }
0x92: {  	s19 =	sld [smem:$0x3FFB];
	_ =	sdelay $0x3  }
0x93: {  	_ =	strace s19  }
0x94: {  	s2 =	sld [smem:$0x3FFC];
	_ =	sdelay $0x3  }
0x95: {  	_ =	strace s2  }
0x96: {  	s2 =	sld [smem:$0x3FFD];
	_ =	sdelay $0x3  }
0x97: {  	_ =	strace s2  }
0x98: {  	_ =	strace $0x8FFFFFFF  }
0x99: {  	s20 =	sld [smem:$0x3FDB];
	_ =	sdelay $0x1  }
0x9a: {  	s5 =	simm.s32 $_scs_section_size  }
0x9b: {  	s6 =	simm.s32 $_size__tile_overlayer_lowered;
	s7 =	simm.s32 $_tile_overlayer_lowered  }
0x9c: {  	s8 =	simm.s32 $0x1BFF;
	s21 =	sshll.u32 s7, $0x1;
	s5 =	sadd.s32 s5, s20  }
0x9d: {  	s22 =	simm.s32 $0x0;
	s6 =	sshll.u32 s6, $0x1;
	s7 =	sadd.s32 s21, s5  }
0x9e: {  	[timem:s22], [sflag:s8] =	dma.local [hbm:s7], s6  }
0x9f: {  	_ =	swait.ge [sflag:s8], s6  }
0xa0: {  	s6 =	ssub.s32 $0x0, s6;
	[sflag:s8] =	ssyncset.done $0x0  }
0xa1: {  	[sflag:s8] =	ssyncadd.s32 s6;
	_ =	sdelay $0x1  }
0xa2: {  	s23 =	simm.s32 $0x1B8B  }
0xa3: {  	_ =	swait.ge [sflag:s23], $0x1  }
0xa4: {  	[sflag:s23] =	ssyncset.done $0x0  }
0xa5: {  	[sflag:s23] =	ssyncadd.s32 $0xFFFFFFFF  }
0xa6: {  	s6 =	sld [smem:$0x0]  }
0xa7: {  	s7 =	sand.u32 $0xFFFFFFFE, s1  }
0xa8: {  	p0 =	sne.s32 s1, s7  }
0xa9: {  	s7 =	sshll.u32 @p0 s7, $0xE  }
0xaa: {  	s7 =	sadd.s32 @p0 $0x11B8D, s7;
	s8 =	sshll.u32 @p0 s6, $0x11  }
0xab: {  	s7 =	sor.u32 @p0 s8, s7  }
0xac: {  	[sflag:s7] =	ssyncadd.remote.s32 @p0 $0x1;
	_ =	sdelay $0x1  }
0xad: {  	s7 =	simm.s32 @p0 $0x1B8D  }
0xae: {  	_ =	swait.eq @p0 [sflag:s7], $0x1  }
0xaf: {  	[sflag:s7] =	ssyncadd.s32 @p0 $0xFFFFFFFF  }
0xb0: {  	s8 =	sshll.u32 @!p0 s1, $0xE  }
0xb1: {  	s8 =	sor.u32 @!p0 $0x4000, s8;
	s7 =	simm.s32 @!p0 $0x1B8D  }
0xb2: {  	s6 =	sshll.u32 @!p0 s6, $0x11;
	s8 =	sadd.s32 @!p0 $0x11B8D, s8;
	_ =	swait.eq @!p0 [sflag:s7], $0x1  }
0xb3: {  	s6 =	sor.u32 @!p0 s6, s8;
	[sflag:s7] =	ssyncadd.s32 @!p0 $0xFFFFFFFF  }
0xb4: {  	s25 =	simm.s32 $0x1B8E;
	s24 =	sld [smem:$0x3FFE];
	[sflag:s6] =	ssyncadd.remote.s32 @!p0 $0x1  }
0xb5: {  	s26 =	simm.s32 $execute0_lowered;
	[smem:$0x3FD2] =	sst s25  }
0xb6: {  	s7 =	sshll.u32 s26, $0x1;
	_ =	strace $0x80000049;
	[dreg:$0x1] =	wrdreg $0xFFFFFFFF  }
0xb7: {  	s28 =	simm.s32 $_size_execute0_lowered;
	s5 =	sadd.s32 s5, s7;
	[dreg:$0x0] =	wrdreg $0x0  }
0xb8: {  	s7 =	sshll.u32 s28, $0x1;
	[dreg:$0x2] =	wrdreg s5  }
0xb9: {  	[dreg:$0x3] =	wrdreg s7  }
0xba: {  	[dreg:$0x4] =	wrdreg $0xC0  }
0xbb: {  	_ =	task [dreg:s22], $0x5FFFF  }
0xbc: {  	[dreg:$0x1] =	wrdreg $0xFFFFFFFF  }
0xbd: {  	[dreg:$0x0] =	wrdreg $0x60  }
0xbe: {  	[dreg:$0x2] =	wrdreg s24  }
0xbf: {  	[dreg:$0x3] =	wrdreg s4  }
0xc0: {  	[dreg:$0x4] =	wrdreg s18  }
0xc1: {  	[dreg:$0x5] =	wrdreg $0x9  }
0xc2: {  	_ =	task.clear_ibuf [dreg:s22], $0x6FFFF;
	_ =	strace $0x90000049  }
0xc3: {  	s29 =	simm.s32 $0x9;
	_ =	strace $0x8000004B  }
0xc4: {  	_ =	swait.ge [sflag:s29], $0x1  }
0xc5: {  	[sflag:s29] =	ssyncadd.s32 $0xFFFFFFFF  }
0xc6: {  	_ =	strace $0x9000004B  }
0xc7: {  	_ =	sfence  }
0xc8: {  	s30 =	sld [smem:$0x0];
	_ =	sdelay $0x2  }
0xc9: {  	s31 =	sshll.u32 s1, $0xD;
	s1 =	sshrl.u32 s1, $0x2  }
0xca: {  	s4 =	sand.u32 $0x4000, s31;
	s1 =	sadd.s32 s1, s30  }
0xcb: {  	s0 =	sor.u32 s4, s0;
	s1 =	sshll.u32 s1, $0x11  }
0xcc: {  	s0 =	sor.u32 s1, s0  }
0xcd: {  	s0 =	sadd.s32 $0x8F2B, s0  }
0xce: {  	[sflag:s0] =	ssyncadd.remote.s32 $0x1  }
0xcf: {  	_ =	sfence.sel $0xFFFF  }
0xd0: {  	[dreg:$0x0] =	wrdreg $0xFFFFFFFF;
	(pc) =	sbr.abs _section_cstart, $3  }
0xd1: {  	[dreg:$0x1] =	wrdreg $0xFFFFFFFF  }
0xd2: {  	_ =	task.clear_ibuf [dreg:s22], $0x2FFFF;
	_ =	strace $0x9FFFFFFF  }
0xd3: {  	(tm) =	ssettm $0x7FFFFFFF  }
tec
execute0_lowered:
.L_overlay_start_1:
0x0: {  	(tag) =	ssettag $0x1  }
0x1: {  	s0 =	rddreg [dreg:$0x0];
	s3 =	simm.s32 $0x0  }
0x2: {  	s1 =	srdreg.scid;
	s5 =	stileid.u32;
	s14 =	simm.s32 $0x2800  }
0x3: {  	s15 =	simm.s32 $0x2;
	s16 =	simm.s32 $0x4F80;
	s17 =	simm.s32 $0x7700  }
0x4: {  	s19 =	simm.s32 $0x80;
	s28 =	simm.s32 $0x2600;
	s29 =	simm.s32 $0x1680  }
0x5: {  	s30 =	simm.s32 $0x2680;
	s31 =	simm.s32 $0x1700;
	s13 =	simm.s32 $0x9E80  }
0x6: {  	s18 =	simm.s32 $0xA680;
	s20 =	simm.s32 $0xAE80;
	s22 =	simm.s32 $0x0  }
0x7: {  	[smem:$0x7FF] =	sst s3;
	s4 =	sadd.s32 $0x675600, s0;
	s6 =	sadd.s32 $0xAC00, s0  }
0x8: {  	s7 =	sadd.s32 $0xE00, s0;
	s2 =	sadd.s32 $0x800, s0;
	s1 =	sand.u32 $0x1, s1  }
0x9: {  	s9 =	sadd.s32 $0x14A00, s0;
	s5 =	sshll.u32 s5, $0x1;
	s10 =	sadd.s32 $0x1E800, s0  }
0xa: {  	s11 =	sadd.s32 $0xC8FE00, s0;
	_ =	strace $0x8000004A;
	s25 =	ssub.s32 $0x2, s1  }
0xb: {  	[dreg:$0x4] =	wrdreg s2;
	s1 =	sor.u32 s1, s5;
	s8 =	sshrl.u32 s25, $0x1  }
0xc: {  	s5 =	simm.s32 $0x50;
	s2 =	simm.s32 $0x2780;
	s26 =	ssub.s32 s25, s8  }
0xd: {  	s12 =	smul.u32 $0x2710, s1;
	s1 =	simm.s32 $0x1780;
	s0 =	smax.u32 s26, $0x1  }
0xe: {  	v0 =	vimm.f32 $0.0e+00;
	s8 =	simm.s32 $0x1;
	[dreg:$0x5] =	wrdreg s0;
	s0 =	simm.s32 $0x2700  }
.LBB2_1:
0xf: {  	[dreg:$0x6] =	wrdreg s22  }
0x10: {  	s21 =	rddreg [dreg:$0x4]  }
0x11: {  	[tilespmem:s14], [sflag:$0x2] =	stream.linear.gather [hbm4b:s21+s3], $0x2780, $0x38;
	[tilespmem:$0xB680] =	vst v63  }
0x12: {  	_ =	swait.ge [sflag:s15], $0x2780  }
0x13: {  	[sflag:s15] =	ssyncset.done $0x0  }
0x14: {  	[sflag:s15] =	ssyncadd.s32 $0xFFFFD880  }
0x15: {  	s25 =	rddreg [dreg:$0x1]  }
0x16: {  	[tilespmem:s16], [sflag:$0x2] =	stream.linear.gather [hbm4b:s25+s3], $0x2780, $0x38;
	[tilespmem:$0xB680] =	vst v63  }
0x17: {  	_ =	swait.ge [sflag:s15], $0x2780  }
0x18: {  	[sflag:s15] =	ssyncset.done $0x0  }
0x19: {  	[sflag:s15] =	ssyncadd.s32 $0xFFFFD880  }
0x1a: {  	s26 =	rddreg [dreg:$0x2]  }
0x1b: {  	[tilespmem:s17], [sflag:$0x2] =	stream.linear.gather [hbm4b:s26+s3], $0x2780, $0x38;
	[tilespmem:$0xB680] =	vst v63  }
0x1c: {  	_ =	swait.ge [sflag:s15], $0x2780  }
0x1d: {  	[sflag:s15] =	ssyncset.done $0x0  }
0x1e: {  	s21 =	simm.s32 $0x0;
	[sflag:s15] =	ssyncadd.s32 $0xFFFFD880  }
.LBB2_2:
0x1f: {  	s22 =	smul.u32 $0x7D0, s21;
	_ =	sdelay $0x1  }
0x20: {  	s22 =	sadd.s32 s12, s22  }
0x21: {  	s22 =	sshrl.u32 s22, $0x3  }
0x22: {  	s24 =	simm.s32 $0x0;
	s23 =	sadd.s32 s6, s22  }
0x23: {  	[tilespmem:s24], [sflag:$0x2] =	stream.linear.gather [hbm4b:s23+s24], $0x7D0, $0x38;
	[tilespmem:$0xB680] =	vst v63  }
0x24: {  	_ =	swait.ge [sflag:s15], $0x7D0  }
0x25: {  	[sflag:s15] =	ssyncset.done $0x0  }
0x26: {  	s25 =	simm.s32 $0x800;
	s26 =	sadd.s32 s7, s22;
	[sflag:s15] =	ssyncadd.s32 $0xFFFFF830  }
0x27: {  	[tilespmem:s25], [sflag:$0x2] =	stream.linear.gather [hbm4b:s26+s24], $0x7D0, $0x38;
	[tilespmem:$0xB680] =	vst v63  }
0x28: {  	_ =	swait.ge [sflag:s15], $0x7D0  }
0x29: {  	[sflag:s15] =	ssyncset.done $0x0  }
0x2a: {  	s23 =	simm.s32 $0x0;
	[sflag:s15] =	ssyncadd.s32 $0xFFFFF830  }
0x2b: {  	v3 =	vld [tilespmem:s23+$0x0]  }
0x2c: {  	v4 =	vld [tilespmem:s23+$0x800];
	_ =	sdelay $0x4  }
0x2d: {  	vm0 =	vgt.s32 v3, v4  }
0x2e: {  	v1 =	vsel vm0, v4, v3  }
0x2f: {  	v2 =	vsel vm0, v3, v4;
	v1 =	vmul.u32 $0x1400, v1  }
0x30: {  	v5 =	vshrl.u32 v2, $0x1;
	v6 =	vand.u32 $0x3FF, v2  }
0x31: {  	v5 =	vand.u32 $0x7FFFFC00, v5;
	v1 =	vor.u32 v6, v1  }
0x32: {  	v2 =	vshrl.u32 v2, $0x6;
	v1 =	vadd.s32 v5, v1  }
0x33: {  	[tilespmem:s23+$0x1000] =	vst v1;
	v1 =	vand.u32 $0x10, v2  }
0x34: {  	[tilespmem:s23+$0x1800] =	vst v1  }
0x35: {  	v1 =	vld.idx.msk [tilespmem:v3+s16+$0x0], $0xffff  }
0x36: {  	v2 =	vld.idx.msk [tilespmem:v4+s16+$0x0], $0xffff;
	_ =	sdelay $0x4  }
0x37: {  	v1 =	vsub.f32 v1, v2;
	_ =	sdelay $0x1  }
0x38: {  	v1 =	vand.u32 $0x7FFFFFFF, v1  }
0x39: {  	[tilespmem:s23+$0xA680] =	vst v1  }
0x3a: {  	v5 =	vld.idx.msk [tilespmem:v3+s17+$0x0], $0xffff  }
0x3b: {  	v6 =	vld.idx.msk [tilespmem:v4+s17+$0x0], $0xffff  }
0x3c: {  	s24 =	simm.s32 $0x10  }
0x3d: {  	v1 =	vld [tilespmem:s24+$0x0]  }
0x3e: {  	v2 =	vld [tilespmem:s24+$0x800];
	_ =	sdelay $0x1  }
0x3f: {  	vm14 =	veq.s32 v5, v6  }
0x40: {  	v5 =	vsel vm14, $0x3F800000, v0  }
0x41: {  	[tilespmem:s23+$0xAE80] =	vst v5  }
0x42: {  	vm15 =	vgt.s32 v1, v2;
	v3 =	vld.idx.msk [tilespmem:v3+s14+$0x0], $0xffff  }
0x43: {  	s25 =	simm.s32 $0x80;
	v6 =	vsel vm15, v2, v1;
	v5 =	vsel vm15, v1, v2;
	v4 =	vld.idx.msk [tilespmem:v4+s14+$0x0], $0xffff  }
.LBB2_3:
0x44: {  	p0 =	sne.s32 s25, $0x1F00;
	v7 =	vshrl.u32 v5, $0x1;
	v8 =	vand.u32 $0x3FF, v5;
	v6 =	vmul.u32 $0x1400, v6;
	s26 =	smov.u32 s25;
	s25 =	sadd.s32 $0x40, s25  }
0x45: {  	v7 =	vand.u32 $0x7FFFFC00, v7  }
0x46: {  	v6 =	vor.u32 v8, v6  }
0x47: {  	v5 =	vshrl.u32 v5, $0x6;
	v6 =	vadd.s32 v7, v6  }
0x48: {  	v5 =	vand.u32 $0x10, v5;
	v3 =	vadd.f32 v4, v3;
	[tilespmem:s24+$0x1000] =	vst v6  }
0x49: {  	[tilespmem:s24+$0x1800] =	vst v5  }
0x4a: {  	[tilespmem:s23+$0x9E80] =	vst v3;
	s23 =	smov.u32 s24  }
0x4b: {  	v3 =	vld.idx.msk [tilespmem:v1+s16+$0x0], $0xffff  }
0x4c: {  	v4 =	vld.idx.msk [tilespmem:v2+s16+$0x0], $0xffff;
	_ =	sdelay $0x5  }
0x4d: {  	v3 =	vsub.f32 v3, v4;
	_ =	sdelay $0x1  }
0x4e: {  	v3 =	vand.u32 $0x7FFFFFFF, v3  }
0x4f: {  	[tilespmem:s23+$0xA680] =	vst v3  }
0x50: {  	v3 =	vld.idx.msk [tilespmem:v1+s17+$0x0], $0xffff  }
0x51: {  	v4 =	vld.idx.msk [tilespmem:v2+s17+$0x0], $0xffff;
	_ =	sdelay $0x2  }
0x52: {  	s24 =	sshra.s32 s26, $0x2  }
0x53: {  	v5 =	vld [tilespmem:s24+$0x0]  }
0x54: {  	v6 =	vld [tilespmem:s24+$0x800]  }
0x55: {  	vm0 =	veq.s32 v3, v4  }
.Ltmp0:
0x56: {  	v3 =	vsel vm0, $0x3F800000, v0;
	(pc) =	sbr.rel @p0 .LBB2_3-.Ltmp0, $4  }
0x57: {  	[tilespmem:s23+$0xAE80] =	vst v3  }
0x58: {  	v3 =	vld.idx.msk [tilespmem:v1+s14+$0x0], $0xffff;
	v1 =	vmov v5  }
0x59: {  	vm0 =	vgt.s32 v1, v6;
	v4 =	vld.idx.msk [tilespmem:v2+s14+$0x0], $0xffff;
	v2 =	vmov v6  }
0x5a: {  	v6 =	vsel vm0, v2, v1;
	v5 =	vsel vm0, v1, v2  }
0x5b: {  	v6 =	vmul.u32 $0x1400, v6  }
0x5c: {  	v7 =	vshrl.u32 v5, $0x1;
	v8 =	vand.u32 $0x3FF, v5;
	v5 =	vshrl.u32 v5, $0x6  }
0x5d: {  	v7 =	vand.u32 $0x7FFFFC00, v7;
	v5 =	vand.u32 $0x10, v5;
	v6 =	vor.u32 v8, v6  }
0x5e: {  	[tilespmem:s24+$0x1800] =	vst v5;
	v6 =	vadd.s32 v7, v6;
	v3 =	vadd.f32 v4, v3  }
0x5f: {  	[tilespmem:s24+$0x1000] =	vst v6  }
0x60: {  	[tilespmem:s23+$0x9E80] =	vst v3  }
0x61: {  	v3 =	vld.idx.msk [tilespmem:v1+s16+$0x0], $0xffff  }
0x62: {  	v4 =	vld.idx.msk [tilespmem:v2+s16+$0x0], $0xffff;
	_ =	sdelay $0x4  }
0x63: {  	v3 =	vsub.f32 v3, v4;
	_ =	sdelay $0x1  }
0x64: {  	v3 =	vand.u32 $0x7FFFFFFF, v3  }
0x65: {  	[tilespmem:s24+$0xA680] =	vst v3  }
0x66: {  	v3 =	vld.idx.msk [tilespmem:v1+s17+$0x0], $0xffff  }
0x67: {  	v4 =	vld.idx.msk [tilespmem:v2+s17+$0x0], $0xffff;
	_ =	sdelay $0x4  }
0x68: {  	vm0 =	veq.s32 v3, v4  }
0x69: {  	v3 =	vsel vm0, $0x3F800000, v0  }
0x6a: {  	[tilespmem:s24+$0xAE80] =	vst v3  }
0x6b: {  	v1 =	vld.idx.msk [tilespmem:v1+s14+$0x0], $0xffff  }
0x6c: {  	v2 =	vld.idx.msk [tilespmem:v2+s14+$0x0], $0xffff;
	_ =	sdelay $0x4  }
0x6d: {  	v1 =	vadd.f32 v2, v1;
	_ =	sdelay $0x1  }
0x6e: {  	s25 =	simm.s32 $0x1000;
	s26 =	simm.s32 $0x2000;
	[tilespmem:s24+$0x9E80] =	vst v1  }
0x6f: {  	[tilespmem:s26], [sflag:$0x1] =	stream.indirect.gather [hbm4b:s4+s19], $0x1, s25, s19, $0xb8;
	[tilespmem:$0xB680] =	vst v63  }
0x70: {  	s25 =	simm.s32 $0x1080;
	s26 =	simm.s32 $0x2080  }
0x71: {  	[tilespmem:s26], [sflag:$0x1] =	stream.indirect.gather [hbm4b:s4+s19], $0x1, s25, s19, $0xb8;
	[tilespmem:$0xB680] =	vst v63  }
0x72: {  	s25 =	simm.s32 $0x1100;
	s26 =	simm.s32 $0x2100  }
0x73: {  	[tilespmem:s26], [sflag:$0x1] =	stream.indirect.gather [hbm4b:s4+s19], $0x1, s25, s19, $0xb8;
	[tilespmem:$0xB680] =	vst v63  }
0x74: {  	s25 =	simm.s32 $0x1180;
	s26 =	simm.s32 $0x2180  }
0x75: {  	[tilespmem:s26], [sflag:$0x1] =	stream.indirect.gather [hbm4b:s4+s19], $0x1, s25, s19, $0xb8;
	[tilespmem:$0xB680] =	vst v63  }
0x76: {  	s25 =	simm.s32 $0x1200;
	s26 =	simm.s32 $0x2200  }
0x77: {  	[tilespmem:s26], [sflag:$0x1] =	stream.indirect.gather [hbm4b:s4+s19], $0x1, s25, s19, $0xb8;
	[tilespmem:$0xB680] =	vst v63  }
0x78: {  	s25 =	simm.s32 $0x1280;
	s26 =	simm.s32 $0x2280  }
0x79: {  	[tilespmem:s26], [sflag:$0x1] =	stream.indirect.gather [hbm4b:s4+s19], $0x1, s25, s19, $0xb8;
	[tilespmem:$0xB680] =	vst v63  }
0x7a: {  	s25 =	simm.s32 $0x1300;
	s26 =	simm.s32 $0x2300  }
0x7b: {  	[tilespmem:s26], [sflag:$0x1] =	stream.indirect.gather [hbm4b:s4+s19], $0x1, s25, s19, $0xb8;
	[tilespmem:$0xB680] =	vst v63  }
0x7c: {  	s25 =	simm.s32 $0x1380;
	s26 =	simm.s32 $0x2380  }
0x7d: {  	[tilespmem:s26], [sflag:$0x1] =	stream.indirect.gather [hbm4b:s4+s19], $0x1, s25, s19, $0xb8;
	[tilespmem:$0xB680] =	vst v63  }
0x7e: {  	s25 =	simm.s32 $0x1400;
	s26 =	simm.s32 $0x2400  }
0x7f: {  	[tilespmem:s26], [sflag:$0x1] =	stream.indirect.gather [hbm4b:s4+s19], $0x1, s25, s19, $0xb8;
	[tilespmem:$0xB680] =	vst v63  }
0x80: {  	s25 =	simm.s32 $0x1480;
	s26 =	simm.s32 $0x2480  }
0x81: {  	[tilespmem:s26], [sflag:$0x1] =	stream.indirect.gather [hbm4b:s4+s19], $0x1, s25, s19, $0xb8;
	[tilespmem:$0xB680] =	vst v63  }
0x82: {  	s25 =	simm.s32 $0x1500;
	s26 =	simm.s32 $0x2500  }
0x83: {  	[tilespmem:s26], [sflag:$0x1] =	stream.indirect.gather [hbm4b:s4+s19], $0x1, s25, s19, $0xb8;
	[tilespmem:$0xB680] =	vst v63  }
0x84: {  	s24 =	simm.s32 $0x1580;
	s25 =	simm.s32 $0x2580  }
0x85: {  	[tilespmem:s25], [sflag:$0x1] =	stream.indirect.gather [hbm4b:s4+s19], $0x1, s24, s19, $0xb8;
	[tilespmem:$0xB680] =	vst v63  }
0x86: {  	s26 =	simm.s32 $0x1600  }
0x87: {  	[tilespmem:s28], [sflag:$0x1] =	stream.indirect.gather [hbm4b:s4+s19], $0x1, s26, s19, $0xb8;
	[tilespmem:$0xB680] =	vst v63  }
0x88: {  	_ = 	snop  }
0x89: {  	[tilespmem:s30], [sflag:$0x1] =	stream.indirect.gather [hbm4b:s4+s19], $0x1, s29, s19, $0xb8;
	[tilespmem:$0xB680] =	vst v63  }
0x8a: {  	_ = 	snop  }
0x8b: {  	[tilespmem:s0], [sflag:$0x1] =	stream.indirect.gather [hbm4b:s4+s19], $0x1, s31, s19, $0xb8;
	[tilespmem:$0xB680] =	vst v63  }
0x8c: {  	_ = 	snop  }
0x8d: {  	[tilespmem:s2], [sflag:$0x1] =	stream.indirect.gather [hbm4b:s4+s5], $0x1, s1, s5, $0xb8;
	[tilespmem:$0xB680] =	vst v63  }
0x8e: {  	_ =	swait.ge [sflag:s8], $0x80  }
0x8f: {  	[sflag:s8] =	ssyncset.done $0x0  }
0x90: {  	[sflag:s8] =	ssyncadd.s32 $0xFFFFFF80  }
0x91: {  	_ =	swait.ge [sflag:s8], $0x80  }
0x92: {  	[sflag:s8] =	ssyncset.done $0x0  }
0x93: {  	[sflag:s8] =	ssyncadd.s32 $0xFFFFFF80  }
0x94: {  	_ =	swait.ge [sflag:s8], $0x80  }
0x95: {  	[sflag:s8] =	ssyncset.done $0x0  }
0x96: {  	[sflag:s8] =	ssyncadd.s32 $0xFFFFFF80  }
0x97: {  	_ =	swait.ge [sflag:s8], $0x80  }
0x98: {  	[sflag:s8] =	ssyncset.done $0x0  }
0x99: {  	[sflag:s8] =	ssyncadd.s32 $0xFFFFFF80  }
0x9a: {  	_ =	swait.ge [sflag:s8], $0x80  }
0x9b: {  	[sflag:s8] =	ssyncset.done $0x0  }
0x9c: {  	[sflag:s8] =	ssyncadd.s32 $0xFFFFFF80  }
0x9d: {  	_ =	swait.ge [sflag:s8], $0x80  }
0x9e: {  	[sflag:s8] =	ssyncset.done $0x0  }
0x9f: {  	[sflag:s8] =	ssyncadd.s32 $0xFFFFFF80  }
0xa0: {  	_ =	swait.ge [sflag:s8], $0x80  }
0xa1: {  	[sflag:s8] =	ssyncset.done $0x0  }
0xa2: {  	[sflag:s8] =	ssyncadd.s32 $0xFFFFFF80  }
0xa3: {  	_ =	swait.ge [sflag:s8], $0x80  }
0xa4: {  	[sflag:s8] =	ssyncset.done $0x0  }
0xa5: {  	[sflag:s8] =	ssyncadd.s32 $0xFFFFFF80  }
0xa6: {  	_ =	swait.ge [sflag:s8], $0x80  }
0xa7: {  	[sflag:s8] =	ssyncset.done $0x0  }
0xa8: {  	[sflag:s8] =	ssyncadd.s32 $0xFFFFFF80  }
0xa9: {  	_ =	swait.ge [sflag:s8], $0x80  }
0xaa: {  	[sflag:s8] =	ssyncset.done $0x0  }
0xab: {  	[sflag:s8] =	ssyncadd.s32 $0xFFFFFF80  }
0xac: {  	_ =	swait.ge [sflag:s8], $0x80  }
0xad: {  	[sflag:s8] =	ssyncset.done $0x0  }
0xae: {  	[sflag:s8] =	ssyncadd.s32 $0xFFFFFF80  }
0xaf: {  	_ =	swait.ge [sflag:s8], $0x80  }
0xb0: {  	[sflag:s8] =	ssyncset.done $0x0  }
0xb1: {  	[sflag:s8] =	ssyncadd.s32 $0xFFFFFF80  }
0xb2: {  	_ =	swait.ge [sflag:s8], $0x80  }
0xb3: {  	[sflag:s8] =	ssyncset.done $0x0  }
0xb4: {  	[sflag:s8] =	ssyncadd.s32 $0xFFFFFF80  }
0xb5: {  	_ =	swait.ge [sflag:s8], $0x80  }
0xb6: {  	[sflag:s8] =	ssyncset.done $0x0  }
0xb7: {  	[sflag:s8] =	ssyncadd.s32 $0xFFFFFF80  }
0xb8: {  	_ =	swait.ge [sflag:s8], $0x80  }
0xb9: {  	[sflag:s8] =	ssyncset.done $0x0  }
0xba: {  	[sflag:s8] =	ssyncadd.s32 $0xFFFFFF80  }
0xbb: {  	_ =	swait.ge [sflag:s8], $0x50  }
0xbc: {  	[sflag:s8] =	ssyncset.done $0x0  }
0xbd: {  	s23 =	simm.s32 $0x0;
	[sflag:s8] =	ssyncadd.s32 $0xFFFFFFB0  }
0xbe: {  	v1 =	vld [tilespmem:s23+$0x2000]  }
0xbf: {  	v2 =	vld [tilespmem:s23+$0x1800];
	_ =	sdelay $0x4  }
0xc0: {  	v1 =	vshrl.u32 v1, v2;
	v2 =	vld [tilespmem:s23+$0x9E80];
	_ =	sdelay $0x1  }
0xc1: {  	v1 =	vshll.u32 v1, $0x10  }
0xc2: {  	s24 =	simm.s32 $0x10;
	v3 =	vadd.f32 v1, v1  }
0xc3: {  	s25 =	simm.s32 $0x80;
	v1 =	vld [tilespmem:s24+$0x2000]  }
.LBB2_5:
0xc4: {  	p0 =	sne.s32 s25, $0x1F00;
	v4 =	vld [tilespmem:s24+$0x1800];
	v2 =	vsub.f32 v2, v3;
	_ =	sdelay $0x1  }
0xc5: {  	v2 =	vmax.f32 v2, $0.0e+00  }
0xc6: {  	[tilespmem:s23+$0x9E80] =	vst v2;
	s23 =	smov.u32 s24  }
.Ltmp1:
0xc7: {  	v2 =	vld [tilespmem:s23+$0x9E80];
	(pc) =	sbr.rel @p0 .LBB2_5-.Ltmp1, $4  }
0xc8: {  	v1 =	vshrl.u32 v1, v4  }
0xc9: {  	v1 =	vshll.u32 v1, $0x10  }
0xca: {  	s24 =	sshra.s32 s25, $0x2;
	v3 =	vadd.f32 v1, v1  }
0xcb: {  	s25 =	sadd.s32 $0x40, s25;
	v1 =	vld [tilespmem:s24+$0x2000]  }
0xcc: {  	v4 =	vld [tilespmem:s24+$0x1800];
	v2 =	vsub.f32 v2, v3;
	_ =	sdelay $0x1  }
0xcd: {  	v2 =	vmax.f32 v2, $0.0e+00  }
0xce: {  	[tilespmem:s23+$0x9E80] =	vst v2  }
0xcf: {  	v2 =	vld [tilespmem:s24+$0x9E80]  }
0xd0: {  	v1 =	vshrl.u32 v1, v4  }
0xd1: {  	v1 =	vshll.u32 v1, $0x10  }
0xd2: {  	v1 =	vadd.f32 v1, v1;
	_ =	sdelay $0x1  }
0xd3: {  	v1 =	vsub.f32 v2, v1;
	_ =	sdelay $0x1  }
0xd4: {  	v1 =	vmax.f32 v1, $0.0e+00  }
0xd5: {  	[tilespmem:s24+$0x9E80] =	vst v1;
	s24 =	sadd.s32 s9, s22  }
0xd6: {  	[hbm4b:s24+s3] =	stream.linear.scatter [tilespmem:s13], [sflag:$0x2], $0x7D0, $0x38;
	[tilespmem:$0xB680] =	vst v63  }
0xd7: {  	_ =	swait.ge [sflag:s15], $0x7D0  }
0xd8: {  	[sflag:s15] =	ssyncset.done $0x0  }
0xd9: {  	s25 =	sadd.s32 s10, s22;
	[sflag:s15] =	ssyncadd.s32 $0xFFFFF830  }
0xda: {  	[hbm4b:s25+s3] =	stream.linear.scatter [tilespmem:s18], [sflag:$0x2], $0x7D0, $0x38;
	[tilespmem:$0xB680] =	vst v63  }
0xdb: {  	s21 =	sadd.s32 $0x1, s21;
	_ =	swait.ge [sflag:s15], $0x7D0  }
0xdc: {  	p0 =	sne.s32 s21, $0x5;
	[sflag:s15] =	ssyncset.done $0x0  }
.Ltmp2:
0xdd: {  	s26 =	sadd.s32 s11, s22;
	[sflag:s15] =	ssyncadd.s32 $0xFFFFF830;
	(pc) =	sbr.rel @p0 .LBB2_2-.Ltmp2, $4  }
0xde: {  	[hbm4b:s26+s3] =	stream.linear.scatter [tilespmem:s20], [sflag:$0x2], $0x7D0, $0x38;
	[tilespmem:$0xB680] =	vst v63  }
0xdf: {  	_ =	swait.ge [sflag:s15], $0x7D0  }
0xe0: {  	[sflag:s15] =	ssyncset.done $0x0  }
0xe1: {  	[sflag:s15] =	ssyncadd.s32 $0xFFFFF830  }
0xe2: {  	s22 =	rddreg [dreg:$0x6]  }
0xe3: {  	s21 =	rddreg [dreg:$0x5];
	s22 =	sadd.s32 $0x1, s22  }
0xe4: {  	p0 =	sne.s32 s22, s21  }
.Ltmp3:
0xe5: {  	_ = 	snop;
	(pc) =	sbr.rel @p0 .LBB2_1-.Ltmp3, $1  }
0xe6: {  	_ =	sdelay $0x3  }
0xe7: {  	_ =	sfence.sel $0x180000  }
0xe8: {  	[bflag:$0x0] =	sbarrier.arrive $0xFFFF  }
0xe9: {  	_ =	strace $0x9000004A  }
0xea: {  	s0 =	stileid.u32;
	[bflag:$0x2] =	sbarrier.arrive $0xFFFF  }
0xeb: {  	p0 =	sne.s32 s0, $0x0;
	s0 =	rddreg [dreg:$0x3]  }
0xec: {  	s0 =	sadd.s32 @!p0 $0x100000, s0  }
0xed: {  	[sflag:s0] =	ssyncadd.tile.s32 @!p0 $0x1;
	_ =	shalt  }
.Lfunc_end2:
_tile_overlayer_lowered:
.L_overlay_start_2:
0xee: {  	(tag) =	ssettag $0x2  }
0xef: {  	s0 =	rddreg [dreg:$0x0];
	s2 =	stileid.u32  }
0xf0: {  	s1 =	rddreg [dreg:$0x1];
	p0 =	sne.s32 s2, $0x0  }
0xf1: {  	s3 =	rddreg [dreg:$0x2];
	[bflag:$0x3] =	sbarrier.arrive $0xFFFF;
	s2 =	simm.s32 @!p0 $0x1C02  }
0xf2: {  	[timem:s3], [sflag:s2] =	dma.local @!p0 [hbm:s0], s1  }
0xf3: {  	s0 =	simm.s32 @!p0 $0x2  }
0xf4: {  	_ =	swait.ge @!p0 [sflag:s0], s1  }
0xf5: {  	s1 =	ssub.s32 @!p0 $0x0, s1;
	[sflag:s0] =	ssyncset.done @!p0 $0x0  }
0xf6: {  	[sflag:s0] =	ssyncadd.s32 @!p0 s1  }
0xf7: {  	[bflag:$0x3] =	sbarrier.arrive $0xFFFF  }
0xf8: {  	_ =	shalt  }

</sc_bundles>
